<compile_context>
chip_gen: v7x
topology: tpu7x:2x2x1
jax: 0.10.2.dev20260603
libtpu: 0.0.44.dev20260713+nightly
codegen_flags: <defaults>
</compile_context>

<pallas_src>
import jax
import jax.numpy as jnp
from jax import lax
from jax.experimental import pallas as pl
from jax.experimental.pallas import tpu as pltpu
from jax.experimental.pallas import tpu_sc as plsc

BS, NQ, NC, T = 16, 1000, 365, 36
N = NQ * NC
NPAD = 368640
R = NPAD // 128
K = 100
D = 10
W = D * 128
BROW = 256


def _topk_kernel(x_ref, ck_ref, ci_ref, msk_ref):
    x = x_ref[0]
    u = lax.bitcast_convert_type(x, jnp.uint32)
    neg = (u >> jnp.uint32(31)) == jnp.uint32(1)
    up = jnp.where(neg, ~u, u | jnp.uint32(0x80000000))

    def body(i, tau):
        t = tau | (jnp.uint32(1) << jnp.uint32(31 - i))
        cnt = jnp.sum((up >= t).astype(jnp.int32))
        return jnp.where(cnt >= K, t, tau)

    tau = lax.fori_loop(0, 32, body, jnp.uint32(0))

    upi = lax.bitcast_convert_type(up, jnp.int32)
    rows = lax.broadcasted_iota(jnp.int32, (R, 128), 0)
    gidx = rows * 128 + lax.broadcasted_iota(jnp.int32, (R, 128), 1)

    msk_ref[...] = (up >= tau).astype(jnp.int32)

    def ebody(d, carry):
        mask = msk_ref[...] == 1
        first_r = jnp.min(jnp.where(mask, rows, R), axis=0)
        sel = rows == first_r[None, :]
        hit = sel & mask
        ck_ref[0, pl.ds(d, 1)] = jnp.sum(jnp.where(hit, upi, 0),
                                         axis=0)[None, :]
        ci_ref[0, pl.ds(d, 1)] = jnp.sum(jnp.where(hit, gidx, 0),
                                         axis=0)[None, :]
        msk_ref[...] = (mask & ~sel).astype(jnp.int32)
        return carry

    lax.fori_loop(0, D, ebody, jnp.int32(0))


def _rank_kernel(ck_ref, ci_ref, sc_ref, lb_ref, gq_ref):
    b = pl.program_id(0)

    def rbody(c, rank):
        kc = lax.bitcast_convert_type(ck_ref[0, pl.ds(c, 1), :],
                                      jnp.uint32)[0]
        ic = ci_ref[0, pl.ds(c, 1), :][0]
        rows = []
        for d in range(D):
            kd = lax.bitcast_convert_type(ck_ref[0, d], jnp.uint32)
            idd = ci_ref[0, d]
            beats = (kc[None, :] > kd[:, None]) | (
                (kc[None, :] == kd[:, None]) & (ic[None, :] < idd[:, None]))
            rows.append(jnp.sum(beats.astype(jnp.int32), axis=1))
        return rank + jnp.stack(rows, axis=0)

    rank = lax.fori_loop(0, D, rbody, jnp.zeros((D, 128), jnp.int32))

    s = lax.iota(jnp.int32, 128)[:, None]
    sel_i = jnp.zeros((128,), jnp.int32)
    sel_hi = jnp.zeros((128,), jnp.int32)
    sel_lo = jnp.zeros((128,), jnp.int32)
    for d in range(D):
        oh = (rank[d][None, :] == s).astype(jnp.int32)
        kd = lax.bitcast_convert_type(ck_ref[0, d], jnp.uint32)
        idd = ci_ref[0, d]
        khi = (kd >> jnp.uint32(16)).astype(jnp.int32)
        klo = (kd & jnp.uint32(0xFFFF)).astype(jnp.int32)
        sel_i = sel_i + jnp.sum(oh * idd[None, :], axis=1)
        sel_hi = sel_hi + jnp.sum(oh * khi[None, :], axis=1)
        sel_lo = sel_lo + jnp.sum(oh * klo[None, :], axis=1)

    key = (sel_hi.astype(jnp.uint32) << jnp.uint32(16)) | sel_lo.astype(
        jnp.uint32)
    pos = (key >> jnp.uint32(31)) == jnp.uint32(1)
    fbits = jnp.where(pos, key ^ jnp.uint32(0x80000000), ~key)
    f = lax.bitcast_convert_type(fbits, jnp.float32)
    sc_ref[0, 0] = 1.0 / (1.0 + jnp.exp(-f))
    lb_ref[0, 0] = sel_i % NC
    gq = b * NQ + sel_i // NC
    gq_ref[0, 0] = jnp.clip(gq, 0, BS * NQ - 1)


def _gather_body(boxes_hbm, boxsw_hbm, qidx_hbm, scale_hbm, out_hbm, idx_v,
                 rows_v, rsw_v, scl_v, sem, sem2):
    wid = lax.axis_index("s") * 2 + lax.axis_index("c")
    pltpu.sync_copy(qidx_hbm.at[pl.ds(wid * 56, 56)], idx_v)
    pltpu.sync_copy(scale_hbm.at[wid, 0], scl_v)
    pltpu.async_copy(boxes_hbm.at[idx_v], rows_v, sem).wait()
    pltpu.async_copy(boxsw_hbm.at[idx_v], rsw_v, sem2).wait()
    sv = scl_v[...]
    lane = lax.iota(jnp.int32, 16)
    mhi = ((lane >> 1) & 1).astype(jnp.float32)
    mlo = 1.0 - mhi

    def body(r, carry):
        for j in range(9):
            v = rows_v[r, pl.ds(j * 16, 16)]
            vs = rsw_v[r, pl.ds(j * 16, 16)]
            res = ((v - 0.5 * vs) * mlo + (vs + 0.5 * v) * mhi) * sv
            rows_v[r, pl.ds(j * 16, 16)] = res
        return carry

    lax.fori_loop(0, 56, body, jnp.int32(0))
    pltpu.sync_copy(rows_v, out_hbm.at[wid])


def kernel(pred_logits, pred_boxes, target_sizes):
    bs, nq, nc = pred_logits.shape
    t = pred_boxes.shape[2]

    x = pred_logits.reshape(bs, N)
    x = jnp.pad(x, ((0, 0), (0, NPAD - N)), constant_values=-jnp.inf)
    x = x.reshape(bs, R, 128)

    ck, ci = pl.pallas_call(
        _topk_kernel,
        grid=(bs,),
        in_specs=[pl.BlockSpec((1, R, 128), lambda b: (b, 0, 0))],
        out_specs=[
            pl.BlockSpec((1, D, 128), lambda b: (b, 0, 0)),
            pl.BlockSpec((1, D, 128), lambda b: (b, 0, 0)),
        ],
        out_shape=[
            jax.ShapeDtypeStruct((bs, D, 128), jnp.int32),
            jax.ShapeDtypeStruct((bs, D, 128), jnp.int32),
        ],
        scratch_shapes=[pltpu.VMEM((R, 128), jnp.int32)],
    )(x)

    scores128, labels128, gq128 = pl.pallas_call(
        _rank_kernel,
        grid=(bs,),
        in_specs=[
            pl.BlockSpec((1, D, 128), lambda b: (b, 0, 0)),
            pl.BlockSpec((1, D, 128), lambda b: (b, 0, 0)),
        ],
        out_specs=[
            pl.BlockSpec((1, 1, 128), lambda b: (b, 0, 0)),
            pl.BlockSpec((1, 1, 128), lambda b: (b, 0, 0)),
            pl.BlockSpec((1, 1, 128), lambda b: (b, 0, 0)),
        ],
        out_shape=[
            jax.ShapeDtypeStruct((bs, 1, 128), jnp.float32),
            jax.ShapeDtypeStruct((bs, 1, 128), jnp.int32),
            jax.ShapeDtypeStruct((bs, 1, 128), jnp.int32),
        ],
    )(ck, ci)

    scores = scores128[:, 0, :K]
    labels = labels128[:, 0, :K]
    gq = gq128[:, 0, :K]

    gq_pad = jnp.pad(gq.reshape(bs, 2, 50), ((0, 0), (0, 0), (0, 6)))
    qidx = gq_pad.reshape(bs * 2 * 56)

    img_h = target_sizes[:, 0].astype(jnp.float32)
    img_w = target_sizes[:, 1].astype(jnp.float32)
    scale4 = jnp.stack([img_w, img_h, img_w, img_h], axis=1)
    scale16 = jnp.tile(scale4, (1, 4))
    scale32 = jnp.repeat(scale16, 2, axis=0).reshape(2 * bs, 1, 16)

    boxes_flat = pred_boxes.reshape(bs * nq, t * 4)
    boxes_flat = jnp.pad(boxes_flat, ((0, 0), (0, BROW - t * 4)))
    boxes_sw = pred_boxes[..., [2, 3, 0, 1]].reshape(bs * nq, t * 4)
    boxes_sw = jnp.pad(boxes_sw, ((0, 0), (0, BROW - t * 4)))

    mesh = plsc.VectorSubcoreMesh(core_axis_name="c", subcore_axis_name="s")
    boxes_out = pl.kernel(
        _gather_body,
        out_type=jax.ShapeDtypeStruct((2 * bs, 56, BROW), jnp.float32),
        mesh=mesh,
        scratch_types=[
            pltpu.VMEM((56,), jnp.int32),
            pltpu.VMEM((56, BROW), jnp.float32),
            pltpu.VMEM((56, BROW), jnp.float32),
            pltpu.VMEM((16,), jnp.float32),
            pltpu.SemaphoreType.DMA,
            pltpu.SemaphoreType.DMA,
        ],
    )(boxes_flat, boxes_sw, qidx, scale32)

    boxes = boxes_out[:, :50, :t * 4].reshape(bs, K, t, 4)
    return scores, labels, boxes

# --- scband reference (transcript-rebuilt; emitter-appended) ---
"""Pipeline reference for scband-post-process-5368709120347 (READ-ONLY COPY).

The authoritative reference and input builder live on the scoring server;
editing this copy changes nothing except your own understanding.
"""

import jax, jax.numpy as jnp
import numpy as np

BS, NQ, NC, T = 16, 1000, 365, 36


def box_cxcywh_to_xyxy(b):
    x_c, y_c, w, h = b[..., 0], b[..., 1], b[..., 2], b[..., 3]
    return jnp.stack([x_c - 0.5 * w, y_c - 0.5 * h, x_c + 0.5 * w, y_c + 0.5 * h], axis=-1)


def setup_inputs(seed: int = 0) -> dict:
    key = jax.random.key(seed)
    k1, k2, k3 = jax.random.split(key, 3)
    pred_logits = jax.random.normal(k1, (BS, NQ, NC), dtype=jnp.float32)
    pred_boxes = jax.random.uniform(k2, (BS, NQ, T, 4), dtype=jnp.float32)
    target_sizes = jax.random.randint(k3, (BS, 2), 1, 1333)
    return {"pred_logits": pred_logits, "pred_boxes": pred_boxes, "target_sizes": target_sizes}


def reference(pred_logits, pred_boxes, target_sizes):
    bs, nq, nc = pred_logits.shape
    prob = jax.nn.sigmoid(pred_logits)
    topk_values, topk_indexes = jax.lax.top_k(prob.reshape(bs, -1), 100)
    scores = topk_values
    topk_boxes = topk_indexes // nc
    labels = topk_indexes % nc
    boxes = box_cxcywh_to_xyxy(pred_boxes)  # [bs, nq, T, 4]
    idx = jnp.broadcast_to(topk_boxes[:, :, None, None], (bs, 100, boxes.shape[2], boxes.shape[3]))
    boxes = jnp.take_along_axis(boxes, idx, axis=1)  # [bs, 100, T, 4]
    img_h = target_sizes[:, 0]
    img_w = target_sizes[:, 1]
    scale_fct = jnp.stack([img_w, img_h, img_w, img_h], axis=1).astype(boxes.dtype)
    boxes = boxes * scale_fct[:, None, None, :]
    return scores, labels, boxes


if False:  # reference __main__ guard neutralized (emitter)
    out = reference(**setup_inputs())
    print([o.shape for o in out])

if __name__ == "__main__":
    import jax
    _d = setup_inputs()
    print(jax.jit(kernel)(*tuple(_d.values())))

</pallas_src>

<mosaic_0001>
#map = affine_map<(d0, d1) -> (0, 0)>
#map1 = affine_map<(d0, d1) -> (0)>
#map2 = affine_map<(d0, d1) -> (0, 0, 0)>
module attributes {stable_mosaic.version = 14 : i64} {
  func.func @_gather_body(%arg0: i32, %arg1: i32, %arg2: memref<16000x256xf32, #tpu.memory_space<hbm>>, %arg3: memref<16000x256xf32, #tpu.memory_space<hbm>>, %arg4: memref<1792xi32, #tpu.memory_space<hbm>>, %arg5: memref<32x1x16xf32, #tpu.memory_space<hbm>>, %arg6: memref<32x56x256xf32, #tpu.memory_space<hbm>>, %arg7: memref<56xi32, #tpu.memory_space<vmem>>, %arg8: memref<56x256xf32, #tpu.memory_space<vmem>>, %arg9: memref<56x256xf32, #tpu.memory_space<vmem>>, %arg10: memref<16xf32, #tpu.memory_space<vmem>>, %arg11: memref<!tpu.dma_semaphore, #tpu.memory_space<semaphore_mem>>, %arg12: memref<!tpu.dma_semaphore, #tpu.memory_space<semaphore_mem>>) attributes {dimension_semantics = [#tpu.dimension_semantics<core_parallel>, #tpu.dimension_semantics<subcore_parallel>], iteration_bounds = array<i64: 2, 16>, scalar_prefetch = 0 : i64, scratch_operands = 6 : i64, tpu.core_type = #tpu.core_type<sc_vector_subcore>, window_params = [{transform_indices = #map}, {transform_indices = #map}, {transform_indices = #map1}, {transform_indices = #map2}, {transform_indices = #map2}]} {
    %mul3A = arith.constant 2 : i32
    %mul3A_0 = arith.muli %arg1, %mul3A : i32
    %add3A = arith.addi %mul3A_0, %arg0 : i32
    %mul3A_1 = arith.constant 56 : i32
    %mul3A_2 = arith.muli %add3A, %mul3A_1 : i32
    "tpu.region"() ({
      %run_scoped3A_26 = tpu.sem_alloc : memref<!tpu.dma_semaphore, #tpu.memory_space<semaphore_mem>>
      %dma_start3A_27 = tpu.memref_slice %arg4[%mul3A_2] : memref<1792xi32, #tpu.memory_space<hbm>> -> memref<56xi32, #tpu.memory_space<hbm>>
      %dma_start3A_28 = tpu.memref_slice %arg4[%mul3A_2] : memref<1792xi32, #tpu.memory_space<hbm>> -> memref<56xi32, #tpu.memory_space<hbm>>
      tpu.enqueue_dma source(%dma_start3A_28 : memref<56xi32, #tpu.memory_space<hbm>>) target(%arg7 : memref<56xi32, #tpu.memory_space<vmem>>) target_semaphore(%run_scoped3A_26 : memref<!tpu.dma_semaphore, #tpu.memory_space<semaphore_mem>>)
      %dma_wait3A_29 = tpu.memref_slice %arg4[%mul3A_2] : memref<1792xi32, #tpu.memory_space<hbm>> -> memref<56xi32, #tpu.memory_space<hbm>>
      %dma_wait3A_30 = tpu.memref_slice %arg4[%mul3A_2] : memref<1792xi32, #tpu.memory_space<hbm>> -> memref<56xi32, #tpu.memory_space<hbm>>
      tpu.wait_dma2 semaphore(%run_scoped3A_26 : memref<!tpu.dma_semaphore, #tpu.memory_space<semaphore_mem>>) src(%dma_wait3A_30 : memref<56xi32, #tpu.memory_space<hbm>>) dst(%arg7 : memref<56xi32, #tpu.memory_space<vmem>>)
      tpu.yield
    }) : () -> ()
    %run_scoped3A = arith.constant 0 : i32
    "tpu.region"() ({
      %run_scoped3A_26 = tpu.sem_alloc : memref<!tpu.dma_semaphore, #tpu.memory_space<semaphore_mem>>
      %dma_start3A_27 = arith.constant 0 : i32
      %dma_start3A_28 = tpu.memref_slice %arg5[%add3A, %run_scoped3A, %dma_start3A_27] : memref<32x1x16xf32, #tpu.memory_space<hbm>> -> memref<1x1x16xf32, #tpu.memory_space<hbm>>
      %dma_start3A_29 = tpu.memref_squeeze %dma_start3A_28 : memref<1x1x16xf32, #tpu.memory_space<hbm>> -> memref<16xf32, #tpu.memory_space<hbm>>
      %dma_start3A_30 = arith.constant 0 : i32
      %dma_start3A_31 = tpu.memref_slice %arg5[%add3A, %run_scoped3A, %dma_start3A_30] : memref<32x1x16xf32, #tpu.memory_space<hbm>> -> memref<1x1x16xf32, #tpu.memory_space<hbm>>
      %dma_start3A_32 = tpu.memref_squeeze %dma_start3A_31 : memref<1x1x16xf32, #tpu.memory_space<hbm>> -> memref<16xf32, #tpu.memory_space<hbm>>
      tpu.enqueue_dma source(%dma_start3A_32 : memref<16xf32, #tpu.memory_space<hbm>>) target(%arg10 : memref<16xf32, #tpu.memory_space<vmem>>) target_semaphore(%run_scoped3A_26 : memref<!tpu.dma_semaphore, #tpu.memory_space<semaphore_mem>>)
      %dma_wait3A_33 = arith.constant 0 : i32
      %dma_wait3A_34 = tpu.memref_slice %arg5[%add3A, %run_scoped3A, %dma_wait3A_33] : memref<32x1x16xf32, #tpu.memory_space<hbm>> -> memref<1x1x16xf32, #tpu.memory_space<hbm>>
      %dma_wait3A_35 = tpu.memref_squeeze %dma_wait3A_34 : memref<1x1x16xf32, #tpu.memory_space<hbm>> -> memref<16xf32, #tpu.memory_space<hbm>>
      %dma_wait3A_36 = arith.constant 0 : i32
      %dma_wait3A_37 = tpu.memref_slice %arg5[%add3A, %run_scoped3A, %dma_wait3A_36] : memref<32x1x16xf32, #tpu.memory_space<hbm>> -> memref<1x1x16xf32, #tpu.memory_space<hbm>>
      %dma_wait3A_38 = tpu.memref_squeeze %dma_wait3A_37 : memref<1x1x16xf32, #tpu.memory_space<hbm>> -> memref<16xf32, #tpu.memory_space<hbm>>
      tpu.wait_dma2 semaphore(%run_scoped3A_26 : memref<!tpu.dma_semaphore, #tpu.memory_space<semaphore_mem>>) src(%dma_wait3A_38 : memref<16xf32, #tpu.memory_space<hbm>>) dst(%arg10 : memref<16xf32, #tpu.memory_space<vmem>>)
      tpu.yield
    }) : () -> ()
    %dma_start3A = arith.constant 0 : i32
    %dma_start3A_3 = arith.constant 0 : i32
    %dma_start3A_4 = tpu.memref_slice %arg2[%dma_start3A, %dma_start3A_3] : memref<16000x256xf32, #tpu.memory_space<hbm>> -> memref<16000x256xf32, #tpu.memory_space<hbm>>
    tpu.enqueue_indirect_dma source(%dma_start3A_4 : memref<16000x256xf32, #tpu.memory_space<hbm>>) target(%arg8 : memref<56x256xf32, #tpu.memory_space<vmem>>) offsets(%arg7 : memref<56xi32, #tpu.memory_space<vmem>>) semaphore(%arg11 : memref<!tpu.dma_semaphore, #tpu.memory_space<semaphore_mem>>)
    %dma_wait3A = arith.constant 0 : i32
    %dma_wait3A_5 = arith.constant 0 : i32
    %dma_wait3A_6 = tpu.memref_slice %arg2[%dma_wait3A, %dma_wait3A_5] : memref<16000x256xf32, #tpu.memory_space<hbm>> -> memref<16000x256xf32, #tpu.memory_space<hbm>>
    tpu.wait_indirect_dma semaphore(%arg11 : memref<!tpu.dma_semaphore, #tpu.memory_space<semaphore_mem>>) src(%dma_wait3A_6 : memref<16000x256xf32, #tpu.memory_space<hbm>>) dst(%arg8 : memref<56x256xf32, #tpu.memory_space<vmem>>)
    %dma_start3A_7 = arith.constant 0 : i32
    %dma_start3A_8 = arith.constant 0 : i32
    %dma_start3A_9 = tpu.memref_slice %arg3[%dma_start3A_7, %dma_start3A_8] : memref<16000x256xf32, #tpu.memory_space<hbm>> -> memref<16000x256xf32, #tpu.memory_space<hbm>>
    tpu.enqueue_indirect_dma source(%dma_start3A_9 : memref<16000x256xf32, #tpu.memory_space<hbm>>) target(%arg9 : memref<56x256xf32, #tpu.memory_space<vmem>>) offsets(%arg7 : memref<56xi32, #tpu.memory_space<vmem>>) semaphore(%arg12 : memref<!tpu.dma_semaphore, #tpu.memory_space<semaphore_mem>>)
    %dma_wait3A_10 = arith.constant 0 : i32
    %dma_wait3A_11 = arith.constant 0 : i32
    %dma_wait3A_12 = tpu.memref_slice %arg3[%dma_wait3A_10, %dma_wait3A_11] : memref<16000x256xf32, #tpu.memory_space<hbm>> -> memref<16000x256xf32, #tpu.memory_space<hbm>>
    tpu.wait_indirect_dma semaphore(%arg12 : memref<!tpu.dma_semaphore, #tpu.memory_space<semaphore_mem>>) src(%dma_wait3A_12 : memref<16000x256xf32, #tpu.memory_space<hbm>>) dst(%arg9 : memref<56x256xf32, #tpu.memory_space<vmem>>)
    %get3A = arith.constant 0 : index
    %get3A_13 = tpu.vector_load %arg10[%get3A] {strides = array<i32>} : memref<16xf32, #tpu.memory_space<vmem>>, vector<16xf32>,
    %get3A_14 = vector.shape_cast %get3A_13 : vector<16xf32> to vector<16xf32>
    %iota3A = tpu.iota {dimensions = array<i32: 0>} : vector<16xi32>
    %shift_right_arithmetic3A = arith.constant 1 : i32
    %shift_right_arithmetic3A_15 = vector.broadcast %shift_right_arithmetic3A : i32 to vector<16xi32>
    %shift_right_arithmetic3A_16 = arith.shrsi %iota3A, %shift_right_arithmetic3A_15 : vector<16xi32>
    %and3A = arith.constant 1 : i32
    %and3A_17 = vector.broadcast %and3A : i32 to vector<16xi32>
    %and3A_18 = arith.andi %shift_right_arithmetic3A_16, %and3A_17 : vector<16xi32>
    %convert_element_type3A = arith.sitofp %and3A_18 : vector<16xi32> to vector<16xf32>
    %sub3A = arith.constant 1.000000e+00 : f32
    %sub3A_19 = vector.broadcast %sub3A : f32 to vector<16xf32>
    %sub3A_20 = arith.subf %sub3A_19, %convert_element_type3A : vector<16xf32>
    %scan3A = arith.constant 0 : i32
    %scan3A_21 = arith.constant 0 : i32
    %scan3A_22 = arith.constant 56 : i32
    %scan3A_23 = arith.addi %scan3A_21, %scan3A_22 : i32
    %scan3A_24 = arith.constant 1 : i32
    scf.for %scan3A_26 = %scan3A_21 to %scan3A_23 step %scan3A_24  : i32 {
      %get3A_27 = arith.index_cast %scan3A_26 : i32 to index
      %get3A_28 = arith.constant 0 : index
      %get3A_29 = tpu.vector_load %arg8[%get3A_27, %get3A_28] {strides = array<i32>} : memref<56x256xf32, #tpu.memory_space<vmem>>, vector<1x16xf32>,
      %get3A_30 = vector.shape_cast %get3A_29 : vector<1x16xf32> to vector<16xf32>
      %get3A_31 = arith.index_cast %scan3A_26 : i32 to index
      %get3A_32 = arith.constant 0 : index
      %get3A_33 = tpu.vector_load %arg9[%get3A_31, %get3A_32] {strides = array<i32>} : memref<56x256xf32, #tpu.memory_space<vmem>>, vector<1x16xf32>,
      %get3A_34 = vector.shape_cast %get3A_33 : vector<1x16xf32> to vector<16xf32>
      %mul3A_35 = arith.constant 5.000000e-01 : f32
      %mul3A_36 = vector.broadcast %mul3A_35 : f32 to vector<16xf32>
      %mul3A_37 = arith.mulf %mul3A_36, %get3A_34 : vector<16xf32>
      %sub3A_38 = arith.subf %get3A_30, %mul3A_37 : vector<16xf32>
      %mul3A_39 = arith.mulf %sub3A_38, %sub3A_20 : vector<16xf32>
      %mul3A_40 = arith.constant 5.000000e-01 : f32
      %mul3A_41 = vector.broadcast %mul3A_40 : f32 to vector<16xf32>
      %mul3A_42 = arith.mulf %mul3A_41, %get3A_30 : vector<16xf32>
      %add3A_43 = arith.addf %get3A_34, %mul3A_42 : vector<16xf32>
      %mul3A_44 = arith.mulf %add3A_43, %convert_element_type3A : vector<16xf32>
      %add3A_45 = arith.addf %mul3A_39, %mul3A_44 : vector<16xf32>
      %mul3A_46 = arith.mulf %add3A_45, %get3A_14 : vector<16xf32>
      %swap3A = arith.index_cast %scan3A_26 : i32 to index
      %swap3A_47 = arith.constant 0 : index
      %swap3A_48 = tpu.vector_load %arg8[%swap3A, %swap3A_47] {strides = array<i32>} : memref<56x256xf32, #tpu.memory_space<vmem>>, vector<1x16xf32>,
      %swap3A_49 = vector.shape_cast %swap3A_48 : vector<1x16xf32> to vector<16xf32>
      %swap3A_50 = vector.shape_cast %mul3A_46 : vector<16xf32> to vector<1x16xf32>
      tpu.vector_store %arg8[%swap3A, %swap3A_47], %swap3A_50 {strides = array<i32>} : memref<56x256xf32, #tpu.memory_space<vmem>>, vector<1x16xf32>,
      %get3A_51 = arith.index_cast %scan3A_26 : i32 to index
      %get3A_52 = arith.constant 16 : index
      %get3A_53 = tpu.vector_load %arg8[%get3A_51, %get3A_52] {strides = array<i32>} : memref<56x256xf32, #tpu.memory_space<vmem>>, vector<1x16xf32>,
      %get3A_54 = vector.shape_cast %get3A_53 : vector<1x16xf32> to vector<16xf32>
      %get3A_55 = arith.index_cast %scan3A_26 : i32 to index
      %get3A_56 = arith.constant 16 : index
      %get3A_57 = tpu.vector_load %arg9[%get3A_55, %get3A_56] {strides = array<i32>} : memref<56x256xf32, #tpu.memory_space<vmem>>, vector<1x16xf32>,
      %get3A_58 = vector.shape_cast %get3A_57 : vector<1x16xf32> to vector<16xf32>
      %mul3A_59 = arith.constant 5.000000e-01 : f32
      %mul3A_60 = vector.broadcast %mul3A_59 : f32 to vector<16xf32>
      %mul3A_61 = arith.mulf %mul3A_60, %get3A_58 : vector<16xf32>
      %sub3A_62 = arith.subf %get3A_54, %mul3A_61 : vector<16xf32>
      %mul3A_63 = arith.mulf %sub3A_62, %sub3A_20 : vector<16xf32>
      %mul3A_64 = arith.constant 5.000000e-01 : f32
      %mul3A_65 = vector.broadcast %mul3A_64 : f32 to vector<16xf32>
      %mul3A_66 = arith.mulf %mul3A_65, %get3A_54 : vector<16xf32>
      %add3A_67 = arith.addf %get3A_58, %mul3A_66 : vector<16xf32>
      %mul3A_68 = arith.mulf %add3A_67, %convert_element_type3A : vector<16xf32>
      %add3A_69 = arith.addf %mul3A_63, %mul3A_68 : vector<16xf32>
      %mul3A_70 = arith.mulf %add3A_69, %get3A_14 : vector<16xf32>
      %swap3A_71 = arith.index_cast %scan3A_26 : i32 to index
      %swap3A_72 = arith.constant 16 : index
      %swap3A_73 = tpu.vector_load %arg8[%swap3A_71, %swap3A_72] {strides = array<i32>} : memref<56x256xf32, #tpu.memory_space<vmem>>, vector<1x16xf32>,
      %swap3A_74 = vector.shape_cast %swap3A_73 : vector<1x16xf32> to vector<16xf32>
      %swap3A_75 = vector.shape_cast %mul3A_70 : vector<16xf32> to vector<1x16xf32>
      tpu.vector_store %arg8[%swap3A_71, %swap3A_72], %swap3A_75 {strides = array<i32>} : memref<56x256xf32, #tpu.memory_space<vmem>>, vector<1x16xf32>,
      %get3A_76 = arith.index_cast %scan3A_26 : i32 to index
      %get3A_77 = arith.constant 32 : index
      %get3A_78 = tpu.vector_load %arg8[%get3A_76, %get3A_77] {strides = array<i32>} : memref<56x256xf32, #tpu.memory_space<vmem>>, vector<1x16xf32>,
      %get3A_79 = vector.shape_cast %get3A_78 : vector<1x16xf32> to vector<16xf32>
      %get3A_80 = arith.index_cast %scan3A_26 : i32 to index
      %get3A_81 = arith.constant 32 : index
      %get3A_82 = tpu.vector_load %arg9[%get3A_80, %get3A_81] {strides = array<i32>} : memref<56x256xf32, #tpu.memory_space<vmem>>, vector<1x16xf32>,
      %get3A_83 = vector.shape_cast %get3A_82 : vector<1x16xf32> to vector<16xf32>
      %mul3A_84 = arith.constant 5.000000e-01 : f32
      %mul3A_85 = vector.broadcast %mul3A_84 : f32 to vector<16xf32>
      %mul3A_86 = arith.mulf %mul3A_85, %get3A_83 : vector<16xf32>
      %sub3A_87 = arith.subf %get3A_79, %mul3A_86 : vector<16xf32>
      %mul3A_88 = arith.mulf %sub3A_87, %sub3A_20 : vector<16xf32>
      %mul3A_89 = arith.constant 5.000000e-01 : f32
      %mul3A_90 = vector.broadcast %mul3A_89 : f32 to vector<16xf32>
      %mul3A_91 = arith.mulf %mul3A_90, %get3A_79 : vector<16xf32>
      %add3A_92 = arith.addf %get3A_83, %mul3A_91 : vector<16xf32>
      %mul3A_93 = arith.mulf %add3A_92, %convert_element_type3A : vector<16xf32>
      %add3A_94 = arith.addf %mul3A_88, %mul3A_93 : vector<16xf32>
      %mul3A_95 = arith.mulf %add3A_94, %get3A_14 : vector<16xf32>
      %swap3A_96 = arith.index_cast %scan3A_26 : i32 to index
      %swap3A_97 = arith.constant 32 : index
      %swap3A_98 = tpu.vector_load %arg8[%swap3A_96, %swap3A_97] {strides = array<i32>} : memref<56x256xf32, #tpu.memory_space<vmem>>, vector<1x16xf32>,
      %swap3A_99 = vector.shape_cast %swap3A_98 : vector<1x16xf32> to vector<16xf32>
      %swap3A_100 = vector.shape_cast %mul3A_95 : vector<16xf32> to vector<1x16xf32>
      tpu.vector_store %arg8[%swap3A_96, %swap3A_97], %swap3A_100 {strides = array<i32>} : memref<56x256xf32, #tpu.memory_space<vmem>>, vector<1x16xf32>,
      %get3A_101 = arith.index_cast %scan3A_26 : i32 to index
      %get3A_102 = arith.constant 48 : index
      %get3A_103 = tpu.vector_load %arg8[%get3A_101, %get3A_102] {strides = array<i32>} : memref<56x256xf32, #tpu.memory_space<vmem>>, vector<1x16xf32>,
      %get3A_104 = vector.shape_cast %get3A_103 : vector<1x16xf32> to vector<16xf32>
      %get3A_105 = arith.index_cast %scan3A_26 : i32 to index
      %get3A_106 = arith.constant 48 : index
      %get3A_107 = tpu.vector_load %arg9[%get3A_105, %get3A_106] {strides = array<i32>} : memref<56x256xf32, #tpu.memory_space<vmem>>, vector<1x16xf32>,
      %get3A_108 = vector.shape_cast %get3A_107 : vector<1x16xf32> to vector<16xf32>
      %mul3A_109 = arith.constant 5.000000e-01 : f32
      %mul3A_110 = vector.broadcast %mul3A_109 : f32 to vector<16xf32>
      %mul3A_111 = arith.mulf %mul3A_110, %get3A_108 : vector<16xf32>
      %sub3A_112 = arith.subf %get3A_104, %mul3A_111 : vector<16xf32>
      %mul3A_113 = arith.mulf %sub3A_112, %sub3A_20 : vector<16xf32>
      %mul3A_114 = arith.constant 5.000000e-01 : f32
      %mul3A_115 = vector.broadcast %mul3A_114 : f32 to vector<16xf32>
      %mul3A_116 = arith.mulf %mul3A_115, %get3A_104 : vector<16xf32>
      %add3A_117 = arith.addf %get3A_108, %mul3A_116 : vector<16xf32>
      %mul3A_118 = arith.mulf %add3A_117, %convert_element_type3A : vector<16xf32>
      %add3A_119 = arith.addf %mul3A_113, %mul3A_118 : vector<16xf32>
      %mul3A_120 = arith.mulf %add3A_119, %get3A_14 : vector<16xf32>
      %swap3A_121 = arith.index_cast %scan3A_26 : i32 to index
      %swap3A_122 = arith.constant 48 : index
      %swap3A_123 = tpu.vector_load %arg8[%swap3A_121, %swap3A_122] {strides = array<i32>} : memref<56x256xf32, #tpu.memory_space<vmem>>, vector<1x16xf32>,
      %swap3A_124 = vector.shape_cast %swap3A_123 : vector<1x16xf32> to vector<16xf32>
      %swap3A_125 = vector.shape_cast %mul3A_120 : vector<16xf32> to vector<1x16xf32>
      tpu.vector_store %arg8[%swap3A_121, %swap3A_122], %swap3A_125 {strides = array<i32>} : memref<56x256xf32, #tpu.memory_space<vmem>>, vector<1x16xf32>,
      %get3A_126 = arith.index_cast %scan3A_26 : i32 to index
      %get3A_127 = arith.constant 64 : index
      %get3A_128 = tpu.vector_load %arg8[%get3A_126, %get3A_127] {strides = array<i32>} : memref<56x256xf32, #tpu.memory_space<vmem>>, vector<1x16xf32>,
      %get3A_129 = vector.shape_cast %get3A_128 : vector<1x16xf32> to vector<16xf32>
      %get3A_130 = arith.index_cast %scan3A_26 : i32 to index
      %get3A_131 = arith.constant 64 : index
      %get3A_132 = tpu.vector_load %arg9[%get3A_130, %get3A_131] {strides = array<i32>} : memref<56x256xf32, #tpu.memory_space<vmem>>, vector<1x16xf32>,
      %get3A_133 = vector.shape_cast %get3A_132 : vector<1x16xf32> to vector<16xf32>
      %mul3A_134 = arith.constant 5.000000e-01 : f32
      %mul3A_135 = vector.broadcast %mul3A_134 : f32 to vector<16xf32>
      %mul3A_136 = arith.mulf %mul3A_135, %get3A_133 : vector<16xf32>
      %sub3A_137 = arith.subf %get3A_129, %mul3A_136 : vector<16xf32>
      %mul3A_138 = arith.mulf %sub3A_137, %sub3A_20 : vector<16xf32>
      %mul3A_139 = arith.constant 5.000000e-01 : f32
      %mul3A_140 = vector.broadcast %mul3A_139 : f32 to vector<16xf32>
      %mul3A_141 = arith.mulf %mul3A_140, %get3A_129 : vector<16xf32>
      %add3A_142 = arith.addf %get3A_133, %mul3A_141 : vector<16xf32>
      %mul3A_143 = arith.mulf %add3A_142, %convert_element_type3A : vector<16xf32>
      %add3A_144 = arith.addf %mul3A_138, %mul3A_143 : vector<16xf32>
      %mul3A_145 = arith.mulf %add3A_144, %get3A_14 : vector<16xf32>
      %swap3A_146 = arith.index_cast %scan3A_26 : i32 to index
      %swap3A_147 = arith.constant 64 : index
      %swap3A_148 = tpu.vector_load %arg8[%swap3A_146, %swap3A_147] {strides = array<i32>} : memref<56x256xf32, #tpu.memory_space<vmem>>, vector<1x16xf32>,
      %swap3A_149 = vector.shape_cast %swap3A_148 : vector<1x16xf32> to vector<16xf32>
      %swap3A_150 = vector.shape_cast %mul3A_145 : vector<16xf32> to vector<1x16xf32>
      tpu.vector_store %arg8[%swap3A_146, %swap3A_147], %swap3A_150 {strides = array<i32>} : memref<56x256xf32, #tpu.memory_space<vmem>>, vector<1x16xf32>,
      %get3A_151 = arith.index_cast %scan3A_26 : i32 to index
      %get3A_152 = arith.constant 80 : index
      %get3A_153 = tpu.vector_load %arg8[%get3A_151, %get3A_152] {strides = array<i32>} : memref<56x256xf32, #tpu.memory_space<vmem>>, vector<1x16xf32>,
      %get3A_154 = vector.shape_cast %get3A_153 : vector<1x16xf32> to vector<16xf32>
      %get3A_155 = arith.index_cast %scan3A_26 : i32 to index
      %get3A_156 = arith.constant 80 : index
      %get3A_157 = tpu.vector_load %arg9[%get3A_155, %get3A_156] {strides = array<i32>} : memref<56x256xf32, #tpu.memory_space<vmem>>, vector<1x16xf32>,
      %get3A_158 = vector.shape_cast %get3A_157 : vector<1x16xf32> to vector<16xf32>
      %mul3A_159 = arith.constant 5.000000e-01 : f32
      %mul3A_160 = vector.broadcast %mul3A_159 : f32 to vector<16xf32>
      %mul3A_161 = arith.mulf %mul3A_160, %get3A_158 : vector<16xf32>
      %sub3A_162 = arith.subf %get3A_154, %mul3A_161 : vector<16xf32>
      %mul3A_163 = arith.mulf %sub3A_162, %sub3A_20 : vector<16xf32>
      %mul3A_164 = arith.constant 5.000000e-01 : f32
      %mul3A_165 = vector.broadcast %mul3A_164 : f32 to vector<16xf32>
      %mul3A_166 = arith.mulf %mul3A_165, %get3A_154 : vector<16xf32>
      %add3A_167 = arith.addf %get3A_158, %mul3A_166 : vector<16xf32>
      %mul3A_168 = arith.mulf %add3A_167, %convert_element_type3A : vector<16xf32>
      %add3A_169 = arith.addf %mul3A_163, %mul3A_168 : vector<16xf32>
      %mul3A_170 = arith.mulf %add3A_169, %get3A_14 : vector<16xf32>
      %swap3A_171 = arith.index_cast %scan3A_26 : i32 to index
      %swap3A_172 = arith.constant 80 : index
      %swap3A_173 = tpu.vector_load %arg8[%swap3A_171, %swap3A_172] {strides = array<i32>} : memref<56x256xf32, #tpu.memory_space<vmem>>, vector<1x16xf32>,
      %swap3A_174 = vector.shape_cast %swap3A_173 : vector<1x16xf32> to vector<16xf32>
      %swap3A_175 = vector.shape_cast %mul3A_170 : vector<16xf32> to vector<1x16xf32>
      tpu.vector_store %arg8[%swap3A_171, %swap3A_172], %swap3A_175 {strides = array<i32>} : memref<56x256xf32, #tpu.memory_space<vmem>>, vector<1x16xf32>,
      %get3A_176 = arith.index_cast %scan3A_26 : i32 to index
      %get3A_177 = arith.constant 96 : index
      %get3A_178 = tpu.vector_load %arg8[%get3A_176, %get3A_177] {strides = array<i32>} : memref<56x256xf32, #tpu.memory_space<vmem>>, vector<1x16xf32>,
      %get3A_179 = vector.shape_cast %get3A_178 : vector<1x16xf32> to vector<16xf32>
      %get3A_180 = arith.index_cast %scan3A_26 : i32 to index
      %get3A_181 = arith.constant 96 : index
      %get3A_182 = tpu.vector_load %arg9[%get3A_180, %get3A_181] {strides = array<i32>} : memref<56x256xf32, #tpu.memory_space<vmem>>, vector<1x16xf32>,
      %get3A_183 = vector.shape_cast %get3A_182 : vector<1x16xf32> to vector<16xf32>
      %mul3A_184 = arith.constant 5.000000e-01 : f32
      %mul3A_185 = vector.broadcast %mul3A_184 : f32 to vector<16xf32>
      %mul3A_186 = arith.mulf %mul3A_185, %get3A_183 : vector<16xf32>
      %sub3A_187 = arith.subf %get3A_179, %mul3A_186 : vector<16xf32>
      %mul3A_188 = arith.mulf %sub3A_187, %sub3A_20 : vector<16xf32>
      %mul3A_189 = arith.constant 5.000000e-01 : f32
      %mul3A_190 = vector.broadcast %mul3A_189 : f32 to vector<16xf32>
      %mul3A_191 = arith.mulf %mul3A_190, %get3A_179 : vector<16xf32>
      %add3A_192 = arith.addf %get3A_183, %mul3A_191 : vector<16xf32>
      %mul3A_193 = arith.mulf %add3A_192, %convert_element_type3A : vector<16xf32>
      %add3A_194 = arith.addf %mul3A_188, %mul3A_193 : vector<16xf32>
      %mul3A_195 = arith.mulf %add3A_194, %get3A_14 : vector<16xf32>
      %swap3A_196 = arith.index_cast %scan3A_26 : i32 to index
      %swap3A_197 = arith.constant 96 : index
      %swap3A_198 = tpu.vector_load %arg8[%swap3A_196, %swap3A_197] {strides = array<i32>} : memref<56x256xf32, #tpu.memory_space<vmem>>, vector<1x16xf32>,
      %swap3A_199 = vector.shape_cast %swap3A_198 : vector<1x16xf32> to vector<16xf32>
      %swap3A_200 = vector.shape_cast %mul3A_195 : vector<16xf32> to vector<1x16xf32>
      tpu.vector_store %arg8[%swap3A_196, %swap3A_197], %swap3A_200 {strides = array<i32>} : memref<56x256xf32, #tpu.memory_space<vmem>>, vector<1x16xf32>,
      %get3A_201 = arith.index_cast %scan3A_26 : i32 to index
      %get3A_202 = arith.constant 112 : index
      %get3A_203 = tpu.vector_load %arg8[%get3A_201, %get3A_202] {strides = array<i32>} : memref<56x256xf32, #tpu.memory_space<vmem>>, vector<1x16xf32>,
      %get3A_204 = vector.shape_cast %get3A_203 : vector<1x16xf32> to vector<16xf32>
      %get3A_205 = arith.index_cast %scan3A_26 : i32 to index
      %get3A_206 = arith.constant 112 : index
      %get3A_207 = tpu.vector_load %arg9[%get3A_205, %get3A_206] {strides = array<i32>} : memref<56x256xf32, #tpu.memory_space<vmem>>, vector<1x16xf32>,
      %get3A_208 = vector.shape_cast %get3A_207 : vector<1x16xf32> to vector<16xf32>
      %mul3A_209 = arith.constant 5.000000e-01 : f32
      %mul3A_210 = vector.broadcast %mul3A_209 : f32 to vector<16xf32>
      %mul3A_211 = arith.mulf %mul3A_210, %get3A_208 : vector<16xf32>
      %sub3A_212 = arith.subf %get3A_204, %mul3A_211 : vector<16xf32>
      %mul3A_213 = arith.mulf %sub3A_212, %sub3A_20 : vector<16xf32>
      %mul3A_214 = arith.constant 5.000000e-01 : f32
      %mul3A_215 = vector.broadcast %mul3A_214 : f32 to vector<16xf32>
      %mul3A_216 = arith.mulf %mul3A_215, %get3A_204 : vector<16xf32>
      %add3A_217 = arith.addf %get3A_208, %mul3A_216 : vector<16xf32>
      %mul3A_218 = arith.mulf %add3A_217, %convert_element_type3A : vector<16xf32>
      %add3A_219 = arith.addf %mul3A_213, %mul3A_218 : vector<16xf32>
      %mul3A_220 = arith.mulf %add3A_219, %get3A_14 : vector<16xf32>
      %swap3A_221 = arith.index_cast %scan3A_26 : i32 to index
      %swap3A_222 = arith.constant 112 : index
      %swap3A_223 = tpu.vector_load %arg8[%swap3A_221, %swap3A_222] {strides = array<i32>} : memref<56x256xf32, #tpu.memory_space<vmem>>, vector<1x16xf32>,
      %swap3A_224 = vector.shape_cast %swap3A_223 : vector<1x16xf32> to vector<16xf32>
      %swap3A_225 = vector.shape_cast %mul3A_220 : vector<16xf32> to vector<1x16xf32>
      tpu.vector_store %arg8[%swap3A_221, %swap3A_222], %swap3A_225 {strides = array<i32>} : memref<56x256xf32, #tpu.memory_space<vmem>>, vector<1x16xf32>,
      %get3A_226 = arith.index_cast %scan3A_26 : i32 to index
      %get3A_227 = arith.constant 128 : index
      %get3A_228 = tpu.vector_load %arg8[%get3A_226, %get3A_227] {strides = array<i32>} : memref<56x256xf32, #tpu.memory_space<vmem>>, vector<1x16xf32>,
      %get3A_229 = vector.shape_cast %get3A_228 : vector<1x16xf32> to vector<16xf32>
      %get3A_230 = arith.index_cast %scan3A_26 : i32 to index
      %get3A_231 = arith.constant 128 : index
      %get3A_232 = tpu.vector_load %arg9[%get3A_230, %get3A_231] {strides = array<i32>} : memref<56x256xf32, #tpu.memory_space<vmem>>, vector<1x16xf32>,
      %get3A_233 = vector.shape_cast %get3A_232 : vector<1x16xf32> to vector<16xf32>
      %mul3A_234 = arith.constant 5.000000e-01 : f32
      %mul3A_235 = vector.broadcast %mul3A_234 : f32 to vector<16xf32>
      %mul3A_236 = arith.mulf %mul3A_235, %get3A_233 : vector<16xf32>
      %sub3A_237 = arith.subf %get3A_229, %mul3A_236 : vector<16xf32>
      %mul3A_238 = arith.mulf %sub3A_237, %sub3A_20 : vector<16xf32>
      %mul3A_239 = arith.constant 5.000000e-01 : f32
      %mul3A_240 = vector.broadcast %mul3A_239 : f32 to vector<16xf32>
      %mul3A_241 = arith.mulf %mul3A_240, %get3A_229 : vector<16xf32>
      %add3A_242 = arith.addf %get3A_233, %mul3A_241 : vector<16xf32>
      %mul3A_243 = arith.mulf %add3A_242, %convert_element_type3A : vector<16xf32>
      %add3A_244 = arith.addf %mul3A_238, %mul3A_243 : vector<16xf32>
      %mul3A_245 = arith.mulf %add3A_244, %get3A_14 : vector<16xf32>
      %swap3A_246 = arith.index_cast %scan3A_26 : i32 to index
      %swap3A_247 = arith.constant 128 : index
      %swap3A_248 = tpu.vector_load %arg8[%swap3A_246, %swap3A_247] {strides = array<i32>} : memref<56x256xf32, #tpu.memory_space<vmem>>, vector<1x16xf32>,
      %swap3A_249 = vector.shape_cast %swap3A_248 : vector<1x16xf32> to vector<16xf32>
      %swap3A_250 = vector.shape_cast %mul3A_245 : vector<16xf32> to vector<1x16xf32>
      tpu.vector_store %arg8[%swap3A_246, %swap3A_247], %swap3A_250 {strides = array<i32>} : memref<56x256xf32, #tpu.memory_space<vmem>>, vector<1x16xf32>,
    }
    %scan3A_25 = arith.constant 56 : i32
    "tpu.region"() ({
      %run_scoped3A_26 = tpu.sem_alloc : memref<!tpu.dma_semaphore, #tpu.memory_space<semaphore_mem>>
      %dma_start3A_27 = arith.constant 0 : i32
      %dma_start3A_28 = arith.constant 0 : i32
      %dma_start3A_29 = tpu.memref_slice %arg6[%add3A, %dma_start3A_27, %dma_start3A_28] : memref<32x56x256xf32, #tpu.memory_space<hbm>> -> memref<1x56x256xf32, #tpu.memory_space<hbm>>
      %dma_start3A_30 = tpu.memref_squeeze %dma_start3A_29 : memref<1x56x256xf32, #tpu.memory_space<hbm>> -> memref<56x256xf32, #tpu.memory_space<hbm>>
      %dma_start3A_31 = arith.constant 0 : i32
      %dma_start3A_32 = arith.constant 0 : i32
      %dma_start3A_33 = tpu.memref_slice %arg6[%add3A, %dma_start3A_31, %dma_start3A_32] : memref<32x56x256xf32, #tpu.memory_space<hbm>> -> memref<1x56x256xf32, #tpu.memory_space<hbm>>
      %dma_start3A_34 = tpu.memref_squeeze %dma_start3A_33 : memref<1x56x256xf32, #tpu.memory_space<hbm>> -> memref<56x256xf32, #tpu.memory_space<hbm>>
      tpu.enqueue_dma source(%arg8 : memref<56x256xf32, #tpu.memory_space<vmem>>) target(%dma_start3A_34 : memref<56x256xf32, #tpu.memory_space<hbm>>) target_semaphore(%run_scoped3A_26 : memref<!tpu.dma_semaphore, #tpu.memory_space<semaphore_mem>>)
      %dma_wait3A_35 = arith.constant 0 : i32
      %dma_wait3A_36 = arith.constant 0 : i32
      %dma_wait3A_37 = tpu.memref_slice %arg6[%add3A, %dma_wait3A_35, %dma_wait3A_36] : memref<32x56x256xf32, #tpu.memory_space<hbm>> -> memref<1x56x256xf32, #tpu.memory_space<hbm>>
      %dma_wait3A_38 = tpu.memref_squeeze %dma_wait3A_37 : memref<1x56x256xf32, #tpu.memory_space<hbm>> -> memref<56x256xf32, #tpu.memory_space<hbm>>
      %dma_wait3A_39 = arith.constant 0 : i32
      %dma_wait3A_40 = arith.constant 0 : i32
      %dma_wait3A_41 = tpu.memref_slice %arg6[%add3A, %dma_wait3A_39, %dma_wait3A_40] : memref<32x56x256xf32, #tpu.memory_space<hbm>> -> memref<1x56x256xf32, #tpu.memory_space<hbm>>
      %dma_wait3A_42 = tpu.memref_squeeze %dma_wait3A_41 : memref<1x56x256xf32, #tpu.memory_space<hbm>> -> memref<56x256xf32, #tpu.memory_space<hbm>>
      tpu.wait_dma2 semaphore(%run_scoped3A_26 : memref<!tpu.dma_semaphore, #tpu.memory_space<semaphore_mem>>) src(%arg8 : memref<56x256xf32, #tpu.memory_space<vmem>>) dst(%dma_wait3A_42 : memref<56x256xf32, #tpu.memory_space<hbm>>)
      tpu.yield
    }) : () -> ()
    return
  }
}

module attributes {stable_mosaic.version = 14 : i64} {
  func.func @_topk_kernel(%arg0: i32, %arg1: memref<1x2880x128xf32, #tpu.memory_space<vmem>>, %arg2: memref<1x10x128xi32, #tpu.memory_space<vmem>>, %arg3: memref<1x10x128xi32, #tpu.memory_space<vmem>>, %arg4: memref<2880x128xi32, #tpu.memory_space<vmem>>) attributes {dimension_semantics = [#tpu.dimension_semantics<arbitrary>], iteration_bounds = array<i64: 16>, scalar_prefetch = 0 : i64, scratch_operands = 1 : i64, tpu.core_type = #tpu.core_type<tc>, window_params = [{transform_indices = @transform_0, window_bounds = array<i64: 1, 2880, 128>}, {transform_indices = @transform_1, window_bounds = array<i64: 1, 10, 128>}, {transform_indices = @transform_2, window_bounds = array<i64: 1, 10, 128>}]} {
    %get3A = arith.constant 0 : index
    %get3A_0 = arith.constant 0 : index
    %get3A_1 = arith.constant 0 : index
    %get3A_2 = vector.load %arg1[%get3A, %get3A_0, %get3A_1] : memref<1x2880x128xf32, #tpu.memory_space<vmem>>, vector<1x2880x128xf32>
    %get3A_3 = vector.shape_cast %get3A_2 : vector<1x2880x128xf32> to vector<2880x128xf32>
    %bitcast_convert_type3A = tpu.bitcast %get3A_3 : vector<2880x128xf32> -> vector<2880x128xi32>
    %shift_right_logical3A = arith.constant 31 : i32
    %shift_right_logical3A_4 = vector.broadcast %shift_right_logical3A : i32 to vector<2880x128xi32>
    %shift_right_logical3A_5 = arith.shrui %bitcast_convert_type3A, %shift_right_logical3A_4 : vector<2880x128xi32>
    %eq3A = arith.constant 1 : i32
    %eq3A_6 = vector.broadcast %eq3A : i32 to vector<2880x128xi32>
    %eq3A_7 = arith.cmpi eq, %shift_right_logical3A_5, %eq3A_6 : vector<2880x128xi32>
    %not3A = arith.constant dense<-1> : vector<2880x128xi32>
    %not3A_8 = arith.xori %bitcast_convert_type3A, %not3A : vector<2880x128xi32>
    %or3A = arith.constant -2147483648 : i32
    %or3A_9 = vector.broadcast %or3A : i32 to vector<2880x128xi32>
    %or3A_10 = arith.ori %bitcast_convert_type3A, %or3A_9 : vector<2880x128xi32>
    %select_n3A = arith.select %eq3A_7, %not3A_8, %or3A_10 : vector<2880x128xi1>, vector<2880x128xi32>
    %scan3A = arith.constant 0 : i32
    %scan3A_11 = arith.constant 0 : i32
    %scan3A_12 = arith.constant 32 : i32
    %scan3A_13 = arith.addi %scan3A_11, %scan3A_12 : i32
    %scan3A_14 = arith.constant 1 : i32
    %scan3A_15 = scf.for %scan3A_29 = %scan3A_11 to %scan3A_13 step %scan3A_14 iter_args(%scan3A_30 = %scan3A) -> (i32)  : i32 {
      %sub3A = arith.constant 31 : i32
      %sub3A_31 = arith.subi %sub3A, %scan3A_29 : i32
      %shift_left3A = arith.constant 1 : i32
      %shift_left3A_32 = arith.shli %shift_left3A, %sub3A_31 : i32
      %or3A_33 = arith.ori %scan3A_30, %shift_left3A_32 : i32
      %ge3A_34 = vector.broadcast %or3A_33 : i32 to vector<2880x128xi32>
      %ge3A_35 = arith.cmpi uge, %select_n3A, %ge3A_34 : vector<2880x128xi32>
      %convert_element_type3A_36 = arith.extui %ge3A_35 : vector<2880x128xi1> to vector<2880x128xi32>
      %reduce_sum3A = vector.shape_cast %convert_element_type3A_36 : vector<2880x128xi32> to vector<1x2880x128xi32>
      %reduce_sum3A_37 = arith.constant dense<0> : vector<1xi32>
      %reduce_sum3A_38 = vector.multi_reduction <add>, %reduce_sum3A, %reduce_sum3A_37 [1, 2] : vector<1x2880x128xi32> to vector<1xi32>
      %reduce_sum3A_39 = vector.shape_cast %reduce_sum3A_38 : vector<1xi32> to vector<1x1x1xi32>
      %reduce_sum3A_40 = vector.extract %reduce_sum3A_39[0, 0, 0] : i32 from vector<1x1x1xi32>
      %ge3A_41 = arith.constant 100 : i32
      %ge3A_42 = arith.cmpi sge, %reduce_sum3A_40, %ge3A_41 : i32
      %select_n3A_43 = arith.select %ge3A_42, %or3A_33, %scan3A_30 : i32
      scf.yield %select_n3A_43 : i32
    }
    %scan3A_16 = arith.constant 32 : i32
    %bitcast_convert_type3A_17 = tpu.bitcast %select_n3A : vector<2880x128xi32> -> vector<2880x128xi32>
    %iota3A = tpu.iota {dimensions = array<i32: 0>} : vector<2880x128xi32>
    %mul3A = arith.constant 128 : i32
    %mul3A_18 = vector.broadcast %mul3A : i32 to vector<2880x128xi32>
    %mul3A_19 = arith.muli %iota3A, %mul3A_18 : vector<2880x128xi32>
    %iota3A_20 = tpu.iota {dimensions = array<i32: 1>} : vector<2880x128xi32>
    %add3A = arith.addi %mul3A_19, %iota3A_20 : vector<2880x128xi32>
    %ge3A = vector.broadcast %scan3A_15 : i32 to vector<2880x128xi32>
    %ge3A_21 = arith.cmpi uge, %select_n3A, %ge3A : vector<2880x128xi32>
    %convert_element_type3A = arith.extui %ge3A_21 : vector<2880x128xi1> to vector<2880x128xi32>
    %swap3A = arith.constant 0 : index
    %swap3A_22 = arith.constant 0 : index
    %swap3A_23 = vector.load %arg4[%swap3A, %swap3A_22] : memref<2880x128xi32, #tpu.memory_space<vmem>>, vector<2880x128xi32>
    tpu.vector_store %arg4[%swap3A, %swap3A_22], %convert_element_type3A {strides = array<i32>} : memref<2880x128xi32, #tpu.memory_space<vmem>>, vector<2880x128xi32>,
    %scan3A_24 = arith.constant 0 : i32
    %scan3A_25 = arith.constant 10 : i32
    %scan3A_26 = arith.addi %scan3A_24, %scan3A_25 : i32
    %scan3A_27 = arith.constant 1 : i32
    scf.for %scan3A_29 = %scan3A_24 to %scan3A_26 step %scan3A_27  : i32 {
      %get3A_30 = arith.constant 0 : index
      %get3A_31 = arith.constant 0 : index
      %get3A_32 = vector.load %arg4[%get3A_30, %get3A_31] : memref<2880x128xi32, #tpu.memory_space<vmem>>, vector<2880x128xi32>
      %eq3A_33 = arith.constant 1 : i32
      %eq3A_34 = vector.broadcast %eq3A_33 : i32 to vector<2880x128xi32>
      %eq3A_35 = arith.cmpi eq, %get3A_32, %eq3A_34 : vector<2880x128xi32>
      %jit3A = arith.constant 2880 : i32
      %broadcast_in_dim3A = vector.broadcast %jit3A : i32 to vector<2880x128xi32>
      %select_n3A_36 = arith.select %eq3A_35, %iota3A, %broadcast_in_dim3A : vector<2880x128xi1>, vector<2880x128xi32>
      %reduce_min3A = arith.constant dense<2147483647> : vector<128xi32>
      %reduce_min3A_37 = vector.multi_reduction <minsi>, %select_n3A_36, %reduce_min3A [0] : vector<2880x128xi32> to vector<128xi32>
      %broadcast_in_dim3A_38 = vector.shape_cast %reduce_min3A_37 : vector<128xi32> to vector<1x128xi32>
      %eq3A_39 = vector.broadcast %broadcast_in_dim3A_38 : vector<1x128xi32> to vector<2880x128xi32>
      %eq3A_40 = arith.cmpi eq, %iota3A, %eq3A_39 : vector<2880x128xi32>
      %and3A = arith.andi %eq3A_40, %eq3A_35 : vector<2880x128xi1>
      %jit3A_41 = arith.constant 0 : i32
      %broadcast_in_dim3A_42 = vector.broadcast %jit3A_41 : i32 to vector<2880x128xi32>
      %select_n3A_43 = arith.select %and3A, %bitcast_convert_type3A_17, %broadcast_in_dim3A_42 : vector<2880x128xi1>, vector<2880x128xi32>
      %reduce_sum3A = arith.constant dense<0> : vector<128xi32>
      %reduce_sum3A_44 = vector.multi_reduction <add>, %select_n3A_43, %reduce_sum3A [0] : vector<2880x128xi32> to vector<128xi32>
      %broadcast_in_dim3A_45 = vector.shape_cast %reduce_sum3A_44 : vector<128xi32> to vector<1x128xi32>
      %swap3A_46 = arith.constant 0 : index
      %swap3A_47 = arith.index_cast %scan3A_29 : i32 to index
      %swap3A_48 = arith.constant 0 : index
      %swap3A_49 = vector.load %arg2[%swap3A_46, %swap3A_47, %swap3A_48] : memref<1x10x128xi32, #tpu.memory_space<vmem>>, vector<1x1x128xi32>
      %swap3A_50 = vector.shape_cast %swap3A_49 : vector<1x1x128xi32> to vector<1x128xi32>
      %swap3A_51 = vector.shape_cast %broadcast_in_dim3A_45 : vector<1x128xi32> to vector<1x1x128xi32>
      tpu.vector_store %arg2[%swap3A_46, %swap3A_47, %swap3A_48], %swap3A_51 {strides = array<i32>} : memref<1x10x128xi32, #tpu.memory_space<vmem>>, vector<1x1x128xi32>,
      %jit3A_52 = arith.constant 0 : i32
      %broadcast_in_dim3A_53 = vector.broadcast %jit3A_52 : i32 to vector<2880x128xi32>
      %select_n3A_54 = arith.select %and3A, %add3A, %broadcast_in_dim3A_53 : vector<2880x128xi1>, vector<2880x128xi32>
      %reduce_sum3A_55 = arith.constant dense<0> : vector<128xi32>
      %reduce_sum3A_56 = vector.multi_reduction <add>, %select_n3A_54, %reduce_sum3A_55 [0] : vector<2880x128xi32> to vector<128xi32>
      %broadcast_in_dim3A_57 = vector.shape_cast %reduce_sum3A_56 : vector<128xi32> to vector<1x128xi32>
      %swap3A_58 = arith.constant 0 : index
      %swap3A_59 = arith.index_cast %scan3A_29 : i32 to index
      %swap3A_60 = arith.constant 0 : index
      %swap3A_61 = vector.load %arg3[%swap3A_58, %swap3A_59, %swap3A_60] : memref<1x10x128xi32, #tpu.memory_space<vmem>>, vector<1x1x128xi32>
      %swap3A_62 = vector.shape_cast %swap3A_61 : vector<1x1x128xi32> to vector<1x128xi32>
      %swap3A_63 = vector.shape_cast %broadcast_in_dim3A_57 : vector<1x128xi32> to vector<1x1x128xi32>
      tpu.vector_store %arg3[%swap3A_58, %swap3A_59, %swap3A_60], %swap3A_63 {strides = array<i32>} : memref<1x10x128xi32, #tpu.memory_space<vmem>>, vector<1x1x128xi32>,
      %not3A_64 = arith.constant dense<true> : vector<2880x128xi1>
      %not3A_65 = arith.xori %eq3A_40, %not3A_64 : vector<2880x128xi1>
      %and3A_66 = arith.andi %eq3A_35, %not3A_65 : vector<2880x128xi1>
      %convert_element_type3A_67 = arith.extui %and3A_66 : vector<2880x128xi1> to vector<2880x128xi32>
      %swap3A_68 = arith.constant 0 : index
      %swap3A_69 = arith.constant 0 : index
      %swap3A_70 = vector.load %arg4[%swap3A_68, %swap3A_69] : memref<2880x128xi32, #tpu.memory_space<vmem>>, vector<2880x128xi32>
      tpu.vector_store %arg4[%swap3A_68, %swap3A_69], %convert_element_type3A_67 {strides = array<i32>} : memref<2880x128xi32, #tpu.memory_space<vmem>>, vector<2880x128xi32>,
    }
    %scan3A_28 = arith.constant 10 : i32
    return
  }
  func.func @transform_0(%arg0: i32) -> (i32, i32, i32) {
    %c0_i32 = arith.constant 0 : i32
    %c0_i32_0 = arith.constant 0 : i32
    %c0_i32_1 = arith.constant 0 : i32
    return %arg0, %c0_i32, %c0_i32_0 : i32, i32, i32
  }
  func.func @transform_1(%arg0: i32) -> (i32, i32, i32) {
    %c0_i32 = arith.constant 0 : i32
    %c0_i32_0 = arith.constant 0 : i32
    %c0_i32_1 = arith.constant 0 : i32
    return %arg0, %c0_i32, %c0_i32_0 : i32, i32, i32
  }
  func.func @transform_2(%arg0: i32) -> (i32, i32, i32) {
    %c0_i32 = arith.constant 0 : i32
    %c0_i32_0 = arith.constant 0 : i32
    %c0_i32_1 = arith.constant 0 : i32
    return %arg0, %c0_i32, %c0_i32_0 : i32, i32, i32
  }
}

module attributes {stable_mosaic.version = 14 : i64} {
  func.func @_rank_kernel(%arg0: i32, %arg1: memref<1x10x128xi32, #tpu.memory_space<vmem>>, %arg2: memref<1x10x128xi32, #tpu.memory_space<vmem>>, %arg3: memref<1x1x128xf32, #tpu.memory_space<vmem>>, %arg4: memref<1x1x128xi32, #tpu.memory_space<vmem>>, %arg5: memref<1x1x128xi32, #tpu.memory_space<vmem>>) attributes {dimension_semantics = [#tpu.dimension_semantics<arbitrary>], iteration_bounds = array<i64: 16>, scalar_prefetch = 0 : i64, scratch_operands = 0 : i64, tpu.core_type = #tpu.core_type<tc>, window_params = [{transform_indices = @transform_0, window_bounds = array<i64: 1, 10, 128>}, {transform_indices = @transform_1, window_bounds = array<i64: 1, 10, 128>}, {transform_indices = @transform_2, window_bounds = array<i64: 1, 1, 128>}, {transform_indices = @transform_3, window_bounds = array<i64: 1, 1, 128>}, {transform_indices = @transform_4, window_bounds = array<i64: 1, 1, 128>}]} {
    %broadcast_in_dim3A = arith.constant 0 : i32
    %broadcast_in_dim3A_0 = vector.broadcast %broadcast_in_dim3A : i32 to vector<10x128xi32>
    %scan3A = arith.constant 0 : i32
    %scan3A_1 = arith.constant 10 : i32
    %scan3A_2 = arith.addi %scan3A, %scan3A_1 : i32
    %scan3A_3 = arith.constant 1 : i32
    %scan3A_4 = scf.for %scan3A_514 = %scan3A to %scan3A_2 step %scan3A_3 iter_args(%scan3A_515 = %broadcast_in_dim3A_0) -> (vector<10x128xi32>)  : i32 {
      %get3A_516 = arith.constant 0 : index
      %get3A_517 = arith.index_cast %scan3A_514 : i32 to index
      %get3A_518 = arith.constant 0 : index
      %get3A_519 = vector.load %arg1[%get3A_516, %get3A_517, %get3A_518] : memref<1x10x128xi32, #tpu.memory_space<vmem>>, vector<1x1x128xi32>
      %get3A_520 = vector.shape_cast %get3A_519 : vector<1x1x128xi32> to vector<1x128xi32>
      %bitcast_convert_type3A_521 = tpu.bitcast %get3A_520 : vector<1x128xi32> -> vector<1x128xi32>
      %squeeze3A_522 = vector.shape_cast %bitcast_convert_type3A_521 : vector<1x128xi32> to vector<128xi32>
      %get3A_523 = arith.constant 0 : index
      %get3A_524 = arith.index_cast %scan3A_514 : i32 to index
      %get3A_525 = arith.constant 0 : index
      %get3A_526 = vector.load %arg2[%get3A_523, %get3A_524, %get3A_525] : memref<1x10x128xi32, #tpu.memory_space<vmem>>, vector<1x1x128xi32>
      %get3A_527 = vector.shape_cast %get3A_526 : vector<1x1x128xi32> to vector<1x128xi32>
      %squeeze3A_528 = vector.shape_cast %get3A_527 : vector<1x128xi32> to vector<128xi32>
      %get3A_529 = arith.constant 0 : index
      %get3A_530 = arith.constant 0 : index
      %get3A_531 = arith.constant 0 : index
      %get3A_532 = vector.load %arg1[%get3A_529, %get3A_530, %get3A_531] : memref<1x10x128xi32, #tpu.memory_space<vmem>>, vector<1x1x128xi32>
      %get3A_533 = vector.shape_cast %get3A_532 : vector<1x1x128xi32> to vector<128xi32>
      %bitcast_convert_type3A_534 = tpu.bitcast %get3A_533 : vector<128xi32> -> vector<128xi32>
      %get3A_535 = arith.constant 0 : index
      %get3A_536 = arith.constant 0 : index
      %get3A_537 = arith.constant 0 : index
      %get3A_538 = vector.load %arg2[%get3A_535, %get3A_536, %get3A_537] : memref<1x10x128xi32, #tpu.memory_space<vmem>>, vector<1x1x128xi32>
      %get3A_539 = vector.shape_cast %get3A_538 : vector<1x1x128xi32> to vector<128xi32>
      %broadcast_in_dim3A_540 = vector.shape_cast %squeeze3A_522 : vector<128xi32> to vector<1x128xi32>
      %broadcast_in_dim3A_541 = vector.shape_cast %bitcast_convert_type3A_534 : vector<128xi32> to vector<128x1xi32>
      %gt3A = vector.broadcast %broadcast_in_dim3A_540 : vector<1x128xi32> to vector<128x128xi32>
      %gt3A_542 = vector.broadcast %broadcast_in_dim3A_541 : vector<128x1xi32> to vector<128x128xi32>
      %gt3A_543 = arith.cmpi ugt, %gt3A, %gt3A_542 : vector<128x128xi32>
      %broadcast_in_dim3A_544 = vector.shape_cast %squeeze3A_522 : vector<128xi32> to vector<1x128xi32>
      %broadcast_in_dim3A_545 = vector.shape_cast %bitcast_convert_type3A_534 : vector<128xi32> to vector<128x1xi32>
      %eq3A_546 = vector.broadcast %broadcast_in_dim3A_544 : vector<1x128xi32> to vector<128x128xi32>
      %eq3A_547 = vector.broadcast %broadcast_in_dim3A_545 : vector<128x1xi32> to vector<128x128xi32>
      %eq3A_548 = arith.cmpi eq, %eq3A_546, %eq3A_547 : vector<128x128xi32>
      %broadcast_in_dim3A_549 = vector.shape_cast %squeeze3A_528 : vector<128xi32> to vector<1x128xi32>
      %broadcast_in_dim3A_550 = vector.shape_cast %get3A_539 : vector<128xi32> to vector<128x1xi32>
      %lt3A_551 = vector.broadcast %broadcast_in_dim3A_549 : vector<1x128xi32> to vector<128x128xi32>
      %lt3A_552 = vector.broadcast %broadcast_in_dim3A_550 : vector<128x1xi32> to vector<128x128xi32>
      %lt3A_553 = arith.cmpi slt, %lt3A_551, %lt3A_552 : vector<128x128xi32>
      %and3A_554 = arith.andi %eq3A_548, %lt3A_553 : vector<128x128xi1>
      %or3A_555 = arith.ori %gt3A_543, %and3A_554 : vector<128x128xi1>
      %convert_element_type3A_556 = arith.extui %or3A_555 : vector<128x128xi1> to vector<128x128xi32>
      %reduce_sum3A_557 = arith.constant dense<0> : vector<128xi32>
      %reduce_sum3A_558 = vector.multi_reduction <add>, %convert_element_type3A_556, %reduce_sum3A_557 [1] : vector<128x128xi32> to vector<128xi32>
      %get3A_559 = arith.constant 0 : index
      %get3A_560 = arith.constant 1 : index
      %get3A_561 = arith.constant 0 : index
      %get3A_562 = vector.load %arg1[%get3A_559, %get3A_560, %get3A_561] : memref<1x10x128xi32, #tpu.memory_space<vmem>>, vector<1x1x128xi32>
      %get3A_563 = vector.shape_cast %get3A_562 : vector<1x1x128xi32> to vector<128xi32>
      %bitcast_convert_type3A_564 = tpu.bitcast %get3A_563 : vector<128xi32> -> vector<128xi32>
      %get3A_565 = arith.constant 0 : index
      %get3A_566 = arith.constant 1 : index
      %get3A_567 = arith.constant 0 : index
      %get3A_568 = vector.load %arg2[%get3A_565, %get3A_566, %get3A_567] : memref<1x10x128xi32, #tpu.memory_space<vmem>>, vector<1x1x128xi32>
      %get3A_569 = vector.shape_cast %get3A_568 : vector<1x1x128xi32> to vector<128xi32>
      %broadcast_in_dim3A_570 = vector.shape_cast %squeeze3A_522 : vector<128xi32> to vector<1x128xi32>
      %broadcast_in_dim3A_571 = vector.shape_cast %bitcast_convert_type3A_564 : vector<128xi32> to vector<128x1xi32>
      %gt3A_572 = vector.broadcast %broadcast_in_dim3A_570 : vector<1x128xi32> to vector<128x128xi32>
      %gt3A_573 = vector.broadcast %broadcast_in_dim3A_571 : vector<128x1xi32> to vector<128x128xi32>
      %gt3A_574 = arith.cmpi ugt, %gt3A_572, %gt3A_573 : vector<128x128xi32>
      %broadcast_in_dim3A_575 = vector.shape_cast %squeeze3A_522 : vector<128xi32> to vector<1x128xi32>
      %broadcast_in_dim3A_576 = vector.shape_cast %bitcast_convert_type3A_564 : vector<128xi32> to vector<128x1xi32>
      %eq3A_577 = vector.broadcast %broadcast_in_dim3A_575 : vector<1x128xi32> to vector<128x128xi32>
      %eq3A_578 = vector.broadcast %broadcast_in_dim3A_576 : vector<128x1xi32> to vector<128x128xi32>
      %eq3A_579 = arith.cmpi eq, %eq3A_577, %eq3A_578 : vector<128x128xi32>
      %broadcast_in_dim3A_580 = vector.shape_cast %squeeze3A_528 : vector<128xi32> to vector<1x128xi32>
      %broadcast_in_dim3A_581 = vector.shape_cast %get3A_569 : vector<128xi32> to vector<128x1xi32>
      %lt3A_582 = vector.broadcast %broadcast_in_dim3A_580 : vector<1x128xi32> to vector<128x128xi32>
      %lt3A_583 = vector.broadcast %broadcast_in_dim3A_581 : vector<128x1xi32> to vector<128x128xi32>
      %lt3A_584 = arith.cmpi slt, %lt3A_582, %lt3A_583 : vector<128x128xi32>
      %and3A_585 = arith.andi %eq3A_579, %lt3A_584 : vector<128x128xi1>
      %or3A_586 = arith.ori %gt3A_574, %and3A_585 : vector<128x128xi1>
      %convert_element_type3A_587 = arith.extui %or3A_586 : vector<128x128xi1> to vector<128x128xi32>
      %reduce_sum3A_588 = arith.constant dense<0> : vector<128xi32>
      %reduce_sum3A_589 = vector.multi_reduction <add>, %convert_element_type3A_587, %reduce_sum3A_588 [1] : vector<128x128xi32> to vector<128xi32>
      %get3A_590 = arith.constant 0 : index
      %get3A_591 = arith.constant 2 : index
      %get3A_592 = arith.constant 0 : index
      %get3A_593 = vector.load %arg1[%get3A_590, %get3A_591, %get3A_592] : memref<1x10x128xi32, #tpu.memory_space<vmem>>, vector<1x1x128xi32>
      %get3A_594 = vector.shape_cast %get3A_593 : vector<1x1x128xi32> to vector<128xi32>
      %bitcast_convert_type3A_595 = tpu.bitcast %get3A_594 : vector<128xi32> -> vector<128xi32>
      %get3A_596 = arith.constant 0 : index
      %get3A_597 = arith.constant 2 : index
      %get3A_598 = arith.constant 0 : index
      %get3A_599 = vector.load %arg2[%get3A_596, %get3A_597, %get3A_598] : memref<1x10x128xi32, #tpu.memory_space<vmem>>, vector<1x1x128xi32>
      %get3A_600 = vector.shape_cast %get3A_599 : vector<1x1x128xi32> to vector<128xi32>
      %broadcast_in_dim3A_601 = vector.shape_cast %squeeze3A_522 : vector<128xi32> to vector<1x128xi32>
      %broadcast_in_dim3A_602 = vector.shape_cast %bitcast_convert_type3A_595 : vector<128xi32> to vector<128x1xi32>
      %gt3A_603 = vector.broadcast %broadcast_in_dim3A_601 : vector<1x128xi32> to vector<128x128xi32>
      %gt3A_604 = vector.broadcast %broadcast_in_dim3A_602 : vector<128x1xi32> to vector<128x128xi32>
      %gt3A_605 = arith.cmpi ugt, %gt3A_603, %gt3A_604 : vector<128x128xi32>
      %broadcast_in_dim3A_606 = vector.shape_cast %squeeze3A_522 : vector<128xi32> to vector<1x128xi32>
      %broadcast_in_dim3A_607 = vector.shape_cast %bitcast_convert_type3A_595 : vector<128xi32> to vector<128x1xi32>
      %eq3A_608 = vector.broadcast %broadcast_in_dim3A_606 : vector<1x128xi32> to vector<128x128xi32>
      %eq3A_609 = vector.broadcast %broadcast_in_dim3A_607 : vector<128x1xi32> to vector<128x128xi32>
      %eq3A_610 = arith.cmpi eq, %eq3A_608, %eq3A_609 : vector<128x128xi32>
      %broadcast_in_dim3A_611 = vector.shape_cast %squeeze3A_528 : vector<128xi32> to vector<1x128xi32>
      %broadcast_in_dim3A_612 = vector.shape_cast %get3A_600 : vector<128xi32> to vector<128x1xi32>
      %lt3A_613 = vector.broadcast %broadcast_in_dim3A_611 : vector<1x128xi32> to vector<128x128xi32>
      %lt3A_614 = vector.broadcast %broadcast_in_dim3A_612 : vector<128x1xi32> to vector<128x128xi32>
      %lt3A_615 = arith.cmpi slt, %lt3A_613, %lt3A_614 : vector<128x128xi32>
      %and3A_616 = arith.andi %eq3A_610, %lt3A_615 : vector<128x128xi1>
      %or3A_617 = arith.ori %gt3A_605, %and3A_616 : vector<128x128xi1>
      %convert_element_type3A_618 = arith.extui %or3A_617 : vector<128x128xi1> to vector<128x128xi32>
      %reduce_sum3A_619 = arith.constant dense<0> : vector<128xi32>
      %reduce_sum3A_620 = vector.multi_reduction <add>, %convert_element_type3A_618, %reduce_sum3A_619 [1] : vector<128x128xi32> to vector<128xi32>
      %get3A_621 = arith.constant 0 : index
      %get3A_622 = arith.constant 3 : index
      %get3A_623 = arith.constant 0 : index
      %get3A_624 = vector.load %arg1[%get3A_621, %get3A_622, %get3A_623] : memref<1x10x128xi32, #tpu.memory_space<vmem>>, vector<1x1x128xi32>
      %get3A_625 = vector.shape_cast %get3A_624 : vector<1x1x128xi32> to vector<128xi32>
      %bitcast_convert_type3A_626 = tpu.bitcast %get3A_625 : vector<128xi32> -> vector<128xi32>
      %get3A_627 = arith.constant 0 : index
      %get3A_628 = arith.constant 3 : index
      %get3A_629 = arith.constant 0 : index
      %get3A_630 = vector.load %arg2[%get3A_627, %get3A_628, %get3A_629] : memref<1x10x128xi32, #tpu.memory_space<vmem>>, vector<1x1x128xi32>
      %get3A_631 = vector.shape_cast %get3A_630 : vector<1x1x128xi32> to vector<128xi32>
      %broadcast_in_dim3A_632 = vector.shape_cast %squeeze3A_522 : vector<128xi32> to vector<1x128xi32>
      %broadcast_in_dim3A_633 = vector.shape_cast %bitcast_convert_type3A_626 : vector<128xi32> to vector<128x1xi32>
      %gt3A_634 = vector.broadcast %broadcast_in_dim3A_632 : vector<1x128xi32> to vector<128x128xi32>
      %gt3A_635 = vector.broadcast %broadcast_in_dim3A_633 : vector<128x1xi32> to vector<128x128xi32>
      %gt3A_636 = arith.cmpi ugt, %gt3A_634, %gt3A_635 : vector<128x128xi32>
      %broadcast_in_dim3A_637 = vector.shape_cast %squeeze3A_522 : vector<128xi32> to vector<1x128xi32>
      %broadcast_in_dim3A_638 = vector.shape_cast %bitcast_convert_type3A_626 : vector<128xi32> to vector<128x1xi32>
      %eq3A_639 = vector.broadcast %broadcast_in_dim3A_637 : vector<1x128xi32> to vector<128x128xi32>
      %eq3A_640 = vector.broadcast %broadcast_in_dim3A_638 : vector<128x1xi32> to vector<128x128xi32>
      %eq3A_641 = arith.cmpi eq, %eq3A_639, %eq3A_640 : vector<128x128xi32>
      %broadcast_in_dim3A_642 = vector.shape_cast %squeeze3A_528 : vector<128xi32> to vector<1x128xi32>
      %broadcast_in_dim3A_643 = vector.shape_cast %get3A_631 : vector<128xi32> to vector<128x1xi32>
      %lt3A_644 = vector.broadcast %broadcast_in_dim3A_642 : vector<1x128xi32> to vector<128x128xi32>
      %lt3A_645 = vector.broadcast %broadcast_in_dim3A_643 : vector<128x1xi32> to vector<128x128xi32>
      %lt3A_646 = arith.cmpi slt, %lt3A_644, %lt3A_645 : vector<128x128xi32>
      %and3A_647 = arith.andi %eq3A_641, %lt3A_646 : vector<128x128xi1>
      %or3A_648 = arith.ori %gt3A_636, %and3A_647 : vector<128x128xi1>
      %convert_element_type3A_649 = arith.extui %or3A_648 : vector<128x128xi1> to vector<128x128xi32>
      %reduce_sum3A_650 = arith.constant dense<0> : vector<128xi32>
      %reduce_sum3A_651 = vector.multi_reduction <add>, %convert_element_type3A_649, %reduce_sum3A_650 [1] : vector<128x128xi32> to vector<128xi32>
      %get3A_652 = arith.constant 0 : index
      %get3A_653 = arith.constant 4 : index
      %get3A_654 = arith.constant 0 : index
      %get3A_655 = vector.load %arg1[%get3A_652, %get3A_653, %get3A_654] : memref<1x10x128xi32, #tpu.memory_space<vmem>>, vector<1x1x128xi32>
      %get3A_656 = vector.shape_cast %get3A_655 : vector<1x1x128xi32> to vector<128xi32>
      %bitcast_convert_type3A_657 = tpu.bitcast %get3A_656 : vector<128xi32> -> vector<128xi32>
      %get3A_658 = arith.constant 0 : index
      %get3A_659 = arith.constant 4 : index
      %get3A_660 = arith.constant 0 : index
      %get3A_661 = vector.load %arg2[%get3A_658, %get3A_659, %get3A_660] : memref<1x10x128xi32, #tpu.memory_space<vmem>>, vector<1x1x128xi32>
      %get3A_662 = vector.shape_cast %get3A_661 : vector<1x1x128xi32> to vector<128xi32>
      %broadcast_in_dim3A_663 = vector.shape_cast %squeeze3A_522 : vector<128xi32> to vector<1x128xi32>
      %broadcast_in_dim3A_664 = vector.shape_cast %bitcast_convert_type3A_657 : vector<128xi32> to vector<128x1xi32>
      %gt3A_665 = vector.broadcast %broadcast_in_dim3A_663 : vector<1x128xi32> to vector<128x128xi32>
      %gt3A_666 = vector.broadcast %broadcast_in_dim3A_664 : vector<128x1xi32> to vector<128x128xi32>
      %gt3A_667 = arith.cmpi ugt, %gt3A_665, %gt3A_666 : vector<128x128xi32>
      %broadcast_in_dim3A_668 = vector.shape_cast %squeeze3A_522 : vector<128xi32> to vector<1x128xi32>
      %broadcast_in_dim3A_669 = vector.shape_cast %bitcast_convert_type3A_657 : vector<128xi32> to vector<128x1xi32>
      %eq3A_670 = vector.broadcast %broadcast_in_dim3A_668 : vector<1x128xi32> to vector<128x128xi32>
      %eq3A_671 = vector.broadcast %broadcast_in_dim3A_669 : vector<128x1xi32> to vector<128x128xi32>
      %eq3A_672 = arith.cmpi eq, %eq3A_670, %eq3A_671 : vector<128x128xi32>
      %broadcast_in_dim3A_673 = vector.shape_cast %squeeze3A_528 : vector<128xi32> to vector<1x128xi32>
      %broadcast_in_dim3A_674 = vector.shape_cast %get3A_662 : vector<128xi32> to vector<128x1xi32>
      %lt3A_675 = vector.broadcast %broadcast_in_dim3A_673 : vector<1x128xi32> to vector<128x128xi32>
      %lt3A_676 = vector.broadcast %broadcast_in_dim3A_674 : vector<128x1xi32> to vector<128x128xi32>
      %lt3A_677 = arith.cmpi slt, %lt3A_675, %lt3A_676 : vector<128x128xi32>
      %and3A_678 = arith.andi %eq3A_672, %lt3A_677 : vector<128x128xi1>
      %or3A_679 = arith.ori %gt3A_667, %and3A_678 : vector<128x128xi1>
      %convert_element_type3A_680 = arith.extui %or3A_679 : vector<128x128xi1> to vector<128x128xi32>
      %reduce_sum3A_681 = arith.constant dense<0> : vector<128xi32>
      %reduce_sum3A_682 = vector.multi_reduction <add>, %convert_element_type3A_680, %reduce_sum3A_681 [1] : vector<128x128xi32> to vector<128xi32>
      %get3A_683 = arith.constant 0 : index
      %get3A_684 = arith.constant 5 : index
      %get3A_685 = arith.constant 0 : index
      %get3A_686 = vector.load %arg1[%get3A_683, %get3A_684, %get3A_685] : memref<1x10x128xi32, #tpu.memory_space<vmem>>, vector<1x1x128xi32>
      %get3A_687 = vector.shape_cast %get3A_686 : vector<1x1x128xi32> to vector<128xi32>
      %bitcast_convert_type3A_688 = tpu.bitcast %get3A_687 : vector<128xi32> -> vector<128xi32>
      %get3A_689 = arith.constant 0 : index
      %get3A_690 = arith.constant 5 : index
      %get3A_691 = arith.constant 0 : index
      %get3A_692 = vector.load %arg2[%get3A_689, %get3A_690, %get3A_691] : memref<1x10x128xi32, #tpu.memory_space<vmem>>, vector<1x1x128xi32>
      %get3A_693 = vector.shape_cast %get3A_692 : vector<1x1x128xi32> to vector<128xi32>
      %broadcast_in_dim3A_694 = vector.shape_cast %squeeze3A_522 : vector<128xi32> to vector<1x128xi32>
      %broadcast_in_dim3A_695 = vector.shape_cast %bitcast_convert_type3A_688 : vector<128xi32> to vector<128x1xi32>
      %gt3A_696 = vector.broadcast %broadcast_in_dim3A_694 : vector<1x128xi32> to vector<128x128xi32>
      %gt3A_697 = vector.broadcast %broadcast_in_dim3A_695 : vector<128x1xi32> to vector<128x128xi32>
      %gt3A_698 = arith.cmpi ugt, %gt3A_696, %gt3A_697 : vector<128x128xi32>
      %broadcast_in_dim3A_699 = vector.shape_cast %squeeze3A_522 : vector<128xi32> to vector<1x128xi32>
      %broadcast_in_dim3A_700 = vector.shape_cast %bitcast_convert_type3A_688 : vector<128xi32> to vector<128x1xi32>
      %eq3A_701 = vector.broadcast %broadcast_in_dim3A_699 : vector<1x128xi32> to vector<128x128xi32>
      %eq3A_702 = vector.broadcast %broadcast_in_dim3A_700 : vector<128x1xi32> to vector<128x128xi32>
      %eq3A_703 = arith.cmpi eq, %eq3A_701, %eq3A_702 : vector<128x128xi32>
      %broadcast_in_dim3A_704 = vector.shape_cast %squeeze3A_528 : vector<128xi32> to vector<1x128xi32>
      %broadcast_in_dim3A_705 = vector.shape_cast %get3A_693 : vector<128xi32> to vector<128x1xi32>
      %lt3A_706 = vector.broadcast %broadcast_in_dim3A_704 : vector<1x128xi32> to vector<128x128xi32>
      %lt3A_707 = vector.broadcast %broadcast_in_dim3A_705 : vector<128x1xi32> to vector<128x128xi32>
      %lt3A_708 = arith.cmpi slt, %lt3A_706, %lt3A_707 : vector<128x128xi32>
      %and3A_709 = arith.andi %eq3A_703, %lt3A_708 : vector<128x128xi1>
      %or3A_710 = arith.ori %gt3A_698, %and3A_709 : vector<128x128xi1>
      %convert_element_type3A_711 = arith.extui %or3A_710 : vector<128x128xi1> to vector<128x128xi32>
      %reduce_sum3A_712 = arith.constant dense<0> : vector<128xi32>
      %reduce_sum3A_713 = vector.multi_reduction <add>, %convert_element_type3A_711, %reduce_sum3A_712 [1] : vector<128x128xi32> to vector<128xi32>
      %get3A_714 = arith.constant 0 : index
      %get3A_715 = arith.constant 6 : index
      %get3A_716 = arith.constant 0 : index
      %get3A_717 = vector.load %arg1[%get3A_714, %get3A_715, %get3A_716] : memref<1x10x128xi32, #tpu.memory_space<vmem>>, vector<1x1x128xi32>
      %get3A_718 = vector.shape_cast %get3A_717 : vector<1x1x128xi32> to vector<128xi32>
      %bitcast_convert_type3A_719 = tpu.bitcast %get3A_718 : vector<128xi32> -> vector<128xi32>
      %get3A_720 = arith.constant 0 : index
      %get3A_721 = arith.constant 6 : index
      %get3A_722 = arith.constant 0 : index
      %get3A_723 = vector.load %arg2[%get3A_720, %get3A_721, %get3A_722] : memref<1x10x128xi32, #tpu.memory_space<vmem>>, vector<1x1x128xi32>
      %get3A_724 = vector.shape_cast %get3A_723 : vector<1x1x128xi32> to vector<128xi32>
      %broadcast_in_dim3A_725 = vector.shape_cast %squeeze3A_522 : vector<128xi32> to vector<1x128xi32>
      %broadcast_in_dim3A_726 = vector.shape_cast %bitcast_convert_type3A_719 : vector<128xi32> to vector<128x1xi32>
      %gt3A_727 = vector.broadcast %broadcast_in_dim3A_725 : vector<1x128xi32> to vector<128x128xi32>
      %gt3A_728 = vector.broadcast %broadcast_in_dim3A_726 : vector<128x1xi32> to vector<128x128xi32>
      %gt3A_729 = arith.cmpi ugt, %gt3A_727, %gt3A_728 : vector<128x128xi32>
      %broadcast_in_dim3A_730 = vector.shape_cast %squeeze3A_522 : vector<128xi32> to vector<1x128xi32>
      %broadcast_in_dim3A_731 = vector.shape_cast %bitcast_convert_type3A_719 : vector<128xi32> to vector<128x1xi32>
      %eq3A_732 = vector.broadcast %broadcast_in_dim3A_730 : vector<1x128xi32> to vector<128x128xi32>
      %eq3A_733 = vector.broadcast %broadcast_in_dim3A_731 : vector<128x1xi32> to vector<128x128xi32>
      %eq3A_734 = arith.cmpi eq, %eq3A_732, %eq3A_733 : vector<128x128xi32>
      %broadcast_in_dim3A_735 = vector.shape_cast %squeeze3A_528 : vector<128xi32> to vector<1x128xi32>
      %broadcast_in_dim3A_736 = vector.shape_cast %get3A_724 : vector<128xi32> to vector<128x1xi32>
      %lt3A_737 = vector.broadcast %broadcast_in_dim3A_735 : vector<1x128xi32> to vector<128x128xi32>
      %lt3A_738 = vector.broadcast %broadcast_in_dim3A_736 : vector<128x1xi32> to vector<128x128xi32>
      %lt3A_739 = arith.cmpi slt, %lt3A_737, %lt3A_738 : vector<128x128xi32>
      %and3A_740 = arith.andi %eq3A_734, %lt3A_739 : vector<128x128xi1>
      %or3A_741 = arith.ori %gt3A_729, %and3A_740 : vector<128x128xi1>
      %convert_element_type3A_742 = arith.extui %or3A_741 : vector<128x128xi1> to vector<128x128xi32>
      %reduce_sum3A_743 = arith.constant dense<0> : vector<128xi32>
      %reduce_sum3A_744 = vector.multi_reduction <add>, %convert_element_type3A_742, %reduce_sum3A_743 [1] : vector<128x128xi32> to vector<128xi32>
      %get3A_745 = arith.constant 0 : index
      %get3A_746 = arith.constant 7 : index
      %get3A_747 = arith.constant 0 : index
      %get3A_748 = vector.load %arg1[%get3A_745, %get3A_746, %get3A_747] : memref<1x10x128xi32, #tpu.memory_space<vmem>>, vector<1x1x128xi32>
      %get3A_749 = vector.shape_cast %get3A_748 : vector<1x1x128xi32> to vector<128xi32>
      %bitcast_convert_type3A_750 = tpu.bitcast %get3A_749 : vector<128xi32> -> vector<128xi32>
      %get3A_751 = arith.constant 0 : index
      %get3A_752 = arith.constant 7 : index
      %get3A_753 = arith.constant 0 : index
      %get3A_754 = vector.load %arg2[%get3A_751, %get3A_752, %get3A_753] : memref<1x10x128xi32, #tpu.memory_space<vmem>>, vector<1x1x128xi32>
      %get3A_755 = vector.shape_cast %get3A_754 : vector<1x1x128xi32> to vector<128xi32>
      %broadcast_in_dim3A_756 = vector.shape_cast %squeeze3A_522 : vector<128xi32> to vector<1x128xi32>
      %broadcast_in_dim3A_757 = vector.shape_cast %bitcast_convert_type3A_750 : vector<128xi32> to vector<128x1xi32>
      %gt3A_758 = vector.broadcast %broadcast_in_dim3A_756 : vector<1x128xi32> to vector<128x128xi32>
      %gt3A_759 = vector.broadcast %broadcast_in_dim3A_757 : vector<128x1xi32> to vector<128x128xi32>
      %gt3A_760 = arith.cmpi ugt, %gt3A_758, %gt3A_759 : vector<128x128xi32>
      %broadcast_in_dim3A_761 = vector.shape_cast %squeeze3A_522 : vector<128xi32> to vector<1x128xi32>
      %broadcast_in_dim3A_762 = vector.shape_cast %bitcast_convert_type3A_750 : vector<128xi32> to vector<128x1xi32>
      %eq3A_763 = vector.broadcast %broadcast_in_dim3A_761 : vector<1x128xi32> to vector<128x128xi32>
      %eq3A_764 = vector.broadcast %broadcast_in_dim3A_762 : vector<128x1xi32> to vector<128x128xi32>
      %eq3A_765 = arith.cmpi eq, %eq3A_763, %eq3A_764 : vector<128x128xi32>
      %broadcast_in_dim3A_766 = vector.shape_cast %squeeze3A_528 : vector<128xi32> to vector<1x128xi32>
      %broadcast_in_dim3A_767 = vector.shape_cast %get3A_755 : vector<128xi32> to vector<128x1xi32>
      %lt3A_768 = vector.broadcast %broadcast_in_dim3A_766 : vector<1x128xi32> to vector<128x128xi32>
      %lt3A_769 = vector.broadcast %broadcast_in_dim3A_767 : vector<128x1xi32> to vector<128x128xi32>
      %lt3A_770 = arith.cmpi slt, %lt3A_768, %lt3A_769 : vector<128x128xi32>
      %and3A_771 = arith.andi %eq3A_765, %lt3A_770 : vector<128x128xi1>
      %or3A_772 = arith.ori %gt3A_760, %and3A_771 : vector<128x128xi1>
      %convert_element_type3A_773 = arith.extui %or3A_772 : vector<128x128xi1> to vector<128x128xi32>
      %reduce_sum3A_774 = arith.constant dense<0> : vector<128xi32>
      %reduce_sum3A_775 = vector.multi_reduction <add>, %convert_element_type3A_773, %reduce_sum3A_774 [1] : vector<128x128xi32> to vector<128xi32>
      %get3A_776 = arith.constant 0 : index
      %get3A_777 = arith.constant 8 : index
      %get3A_778 = arith.constant 0 : index
      %get3A_779 = vector.load %arg1[%get3A_776, %get3A_777, %get3A_778] : memref<1x10x128xi32, #tpu.memory_space<vmem>>, vector<1x1x128xi32>
      %get3A_780 = vector.shape_cast %get3A_779 : vector<1x1x128xi32> to vector<128xi32>
      %bitcast_convert_type3A_781 = tpu.bitcast %get3A_780 : vector<128xi32> -> vector<128xi32>
      %get3A_782 = arith.constant 0 : index
      %get3A_783 = arith.constant 8 : index
      %get3A_784 = arith.constant 0 : index
      %get3A_785 = vector.load %arg2[%get3A_782, %get3A_783, %get3A_784] : memref<1x10x128xi32, #tpu.memory_space<vmem>>, vector<1x1x128xi32>
      %get3A_786 = vector.shape_cast %get3A_785 : vector<1x1x128xi32> to vector<128xi32>
      %broadcast_in_dim3A_787 = vector.shape_cast %squeeze3A_522 : vector<128xi32> to vector<1x128xi32>
      %broadcast_in_dim3A_788 = vector.shape_cast %bitcast_convert_type3A_781 : vector<128xi32> to vector<128x1xi32>
      %gt3A_789 = vector.broadcast %broadcast_in_dim3A_787 : vector<1x128xi32> to vector<128x128xi32>
      %gt3A_790 = vector.broadcast %broadcast_in_dim3A_788 : vector<128x1xi32> to vector<128x128xi32>
      %gt3A_791 = arith.cmpi ugt, %gt3A_789, %gt3A_790 : vector<128x128xi32>
      %broadcast_in_dim3A_792 = vector.shape_cast %squeeze3A_522 : vector<128xi32> to vector<1x128xi32>
      %broadcast_in_dim3A_793 = vector.shape_cast %bitcast_convert_type3A_781 : vector<128xi32> to vector<128x1xi32>
      %eq3A_794 = vector.broadcast %broadcast_in_dim3A_792 : vector<1x128xi32> to vector<128x128xi32>
      %eq3A_795 = vector.broadcast %broadcast_in_dim3A_793 : vector<128x1xi32> to vector<128x128xi32>
      %eq3A_796 = arith.cmpi eq, %eq3A_794, %eq3A_795 : vector<128x128xi32>
      %broadcast_in_dim3A_797 = vector.shape_cast %squeeze3A_528 : vector<128xi32> to vector<1x128xi32>
      %broadcast_in_dim3A_798 = vector.shape_cast %get3A_786 : vector<128xi32> to vector<128x1xi32>
      %lt3A_799 = vector.broadcast %broadcast_in_dim3A_797 : vector<1x128xi32> to vector<128x128xi32>
      %lt3A_800 = vector.broadcast %broadcast_in_dim3A_798 : vector<128x1xi32> to vector<128x128xi32>
      %lt3A_801 = arith.cmpi slt, %lt3A_799, %lt3A_800 : vector<128x128xi32>
      %and3A_802 = arith.andi %eq3A_796, %lt3A_801 : vector<128x128xi1>
      %or3A_803 = arith.ori %gt3A_791, %and3A_802 : vector<128x128xi1>
      %convert_element_type3A_804 = arith.extui %or3A_803 : vector<128x128xi1> to vector<128x128xi32>
      %reduce_sum3A_805 = arith.constant dense<0> : vector<128xi32>
      %reduce_sum3A_806 = vector.multi_reduction <add>, %convert_element_type3A_804, %reduce_sum3A_805 [1] : vector<128x128xi32> to vector<128xi32>
      %get3A_807 = arith.constant 0 : index
      %get3A_808 = arith.constant 9 : index
      %get3A_809 = arith.constant 0 : index
      %get3A_810 = vector.load %arg1[%get3A_807, %get3A_808, %get3A_809] : memref<1x10x128xi32, #tpu.memory_space<vmem>>, vector<1x1x128xi32>
      %get3A_811 = vector.shape_cast %get3A_810 : vector<1x1x128xi32> to vector<128xi32>
      %bitcast_convert_type3A_812 = tpu.bitcast %get3A_811 : vector<128xi32> -> vector<128xi32>
      %get3A_813 = arith.constant 0 : index
      %get3A_814 = arith.constant 9 : index
      %get3A_815 = arith.constant 0 : index
      %get3A_816 = vector.load %arg2[%get3A_813, %get3A_814, %get3A_815] : memref<1x10x128xi32, #tpu.memory_space<vmem>>, vector<1x1x128xi32>
      %get3A_817 = vector.shape_cast %get3A_816 : vector<1x1x128xi32> to vector<128xi32>
      %broadcast_in_dim3A_818 = vector.shape_cast %squeeze3A_522 : vector<128xi32> to vector<1x128xi32>
      %broadcast_in_dim3A_819 = vector.shape_cast %bitcast_convert_type3A_812 : vector<128xi32> to vector<128x1xi32>
      %gt3A_820 = vector.broadcast %broadcast_in_dim3A_818 : vector<1x128xi32> to vector<128x128xi32>
      %gt3A_821 = vector.broadcast %broadcast_in_dim3A_819 : vector<128x1xi32> to vector<128x128xi32>
      %gt3A_822 = arith.cmpi ugt, %gt3A_820, %gt3A_821 : vector<128x128xi32>
      %broadcast_in_dim3A_823 = vector.shape_cast %squeeze3A_522 : vector<128xi32> to vector<1x128xi32>
      %broadcast_in_dim3A_824 = vector.shape_cast %bitcast_convert_type3A_812 : vector<128xi32> to vector<128x1xi32>
      %eq3A_825 = vector.broadcast %broadcast_in_dim3A_823 : vector<1x128xi32> to vector<128x128xi32>
      %eq3A_826 = vector.broadcast %broadcast_in_dim3A_824 : vector<128x1xi32> to vector<128x128xi32>
      %eq3A_827 = arith.cmpi eq, %eq3A_825, %eq3A_826 : vector<128x128xi32>
      %broadcast_in_dim3A_828 = vector.shape_cast %squeeze3A_528 : vector<128xi32> to vector<1x128xi32>
      %broadcast_in_dim3A_829 = vector.shape_cast %get3A_817 : vector<128xi32> to vector<128x1xi32>
      %lt3A_830 = vector.broadcast %broadcast_in_dim3A_828 : vector<1x128xi32> to vector<128x128xi32>
      %lt3A_831 = vector.broadcast %broadcast_in_dim3A_829 : vector<128x1xi32> to vector<128x128xi32>
      %lt3A_832 = arith.cmpi slt, %lt3A_830, %lt3A_831 : vector<128x128xi32>
      %and3A_833 = arith.andi %eq3A_827, %lt3A_832 : vector<128x128xi1>
      %or3A_834 = arith.ori %gt3A_822, %and3A_833 : vector<128x128xi1>
      %convert_element_type3A_835 = arith.extui %or3A_834 : vector<128x128xi1> to vector<128x128xi32>
      %reduce_sum3A_836 = arith.constant dense<0> : vector<128xi32>
      %reduce_sum3A_837 = vector.multi_reduction <add>, %convert_element_type3A_835, %reduce_sum3A_836 [1] : vector<128x128xi32> to vector<128xi32>
      %stack3A = vector.shape_cast %reduce_sum3A_558 : vector<128xi32> to vector<1x128xi32>
      %stack3A_838 = vector.shape_cast %reduce_sum3A_589 : vector<128xi32> to vector<1x128xi32>
      %stack3A_839 = vector.shape_cast %reduce_sum3A_620 : vector<128xi32> to vector<1x128xi32>
      %stack3A_840 = vector.shape_cast %reduce_sum3A_651 : vector<128xi32> to vector<1x128xi32>
      %stack3A_841 = vector.shape_cast %reduce_sum3A_682 : vector<128xi32> to vector<1x128xi32>
      %stack3A_842 = vector.shape_cast %reduce_sum3A_713 : vector<128xi32> to vector<1x128xi32>
      %stack3A_843 = vector.shape_cast %reduce_sum3A_744 : vector<128xi32> to vector<1x128xi32>
      %stack3A_844 = vector.shape_cast %reduce_sum3A_775 : vector<128xi32> to vector<1x128xi32>
      %stack3A_845 = vector.shape_cast %reduce_sum3A_806 : vector<128xi32> to vector<1x128xi32>
      %stack3A_846 = vector.shape_cast %reduce_sum3A_837 : vector<128xi32> to vector<1x128xi32>
      %stack3A_847 = tpu.concatenate %stack3A, %stack3A_838, %stack3A_839, %stack3A_840, %stack3A_841, %stack3A_842, %stack3A_843, %stack3A_844, %stack3A_845, %stack3A_846 in 0 : vector<1x128xi32>, vector<1x128xi32>, vector<1x128xi32>, vector<1x128xi32>, vector<1x128xi32>, vector<1x128xi32>, vector<1x128xi32>, vector<1x128xi32>, vector<1x128xi32>, vector<1x128xi32> -> vector<10x128xi32>
      %add3A_848 = arith.addi %scan3A_515, %stack3A_847 : vector<10x128xi32>
      scf.yield %add3A_848 : vector<10x128xi32>
    }
    %scan3A_5 = arith.constant 10 : i32
    %iota3A = tpu.iota {dimensions = array<i32: 1>} : vector<1x128xi32>
    %iota3A_6 = vector.shape_cast %iota3A : vector<1x128xi32> to vector<128xi32>
    %broadcast_in_dim3A_7 = vector.shape_cast %iota3A_6 : vector<128xi32> to vector<128x1xi32>
    %broadcast_in_dim3A_8 = arith.constant 0 : i32
    %broadcast_in_dim3A_9 = vector.broadcast %broadcast_in_dim3A_8 : i32 to vector<128xi32>
    %broadcast_in_dim3A_10 = arith.constant 0 : i32
    %broadcast_in_dim3A_11 = vector.broadcast %broadcast_in_dim3A_10 : i32 to vector<128xi32>
    %broadcast_in_dim3A_12 = arith.constant 0 : i32
    %broadcast_in_dim3A_13 = vector.broadcast %broadcast_in_dim3A_12 : i32 to vector<128xi32>
    %slice3A = vector.extract_strided_slice %scan3A_4 {offsets = [0, 0], sizes = [1, 128], strides = [1, 1]} : vector<10x128xi32> to vector<1x128xi32>
    %squeeze3A = vector.shape_cast %slice3A : vector<1x128xi32> to vector<128xi32>
    %broadcast_in_dim3A_14 = vector.shape_cast %squeeze3A : vector<128xi32> to vector<1x128xi32>
    %eq3A = vector.broadcast %broadcast_in_dim3A_14 : vector<1x128xi32> to vector<128x128xi32>
    %eq3A_15 = vector.broadcast %broadcast_in_dim3A_7 : vector<128x1xi32> to vector<128x128xi32>
    %eq3A_16 = arith.cmpi eq, %eq3A, %eq3A_15 : vector<128x128xi32>
    %convert_element_type3A = arith.extui %eq3A_16 : vector<128x128xi1> to vector<128x128xi32>
    %get3A = arith.constant 0 : index
    %get3A_17 = arith.constant 0 : index
    %get3A_18 = arith.constant 0 : index
    %get3A_19 = vector.load %arg1[%get3A, %get3A_17, %get3A_18] : memref<1x10x128xi32, #tpu.memory_space<vmem>>, vector<1x1x128xi32>
    %get3A_20 = vector.shape_cast %get3A_19 : vector<1x1x128xi32> to vector<128xi32>
    %bitcast_convert_type3A = tpu.bitcast %get3A_20 : vector<128xi32> -> vector<128xi32>
    %get3A_21 = arith.constant 0 : index
    %get3A_22 = arith.constant 0 : index
    %get3A_23 = arith.constant 0 : index
    %get3A_24 = vector.load %arg2[%get3A_21, %get3A_22, %get3A_23] : memref<1x10x128xi32, #tpu.memory_space<vmem>>, vector<1x1x128xi32>
    %get3A_25 = vector.shape_cast %get3A_24 : vector<1x1x128xi32> to vector<128xi32>
    %shift_right_logical3A = arith.constant 16 : i32
    %shift_right_logical3A_26 = vector.broadcast %shift_right_logical3A : i32 to vector<128xi32>
    %shift_right_logical3A_27 = arith.shrui %bitcast_convert_type3A, %shift_right_logical3A_26 : vector<128xi32>
    %and3A = arith.constant 65535 : i32
    %and3A_28 = vector.broadcast %and3A : i32 to vector<128xi32>
    %and3A_29 = arith.andi %bitcast_convert_type3A, %and3A_28 : vector<128xi32>
    %broadcast_in_dim3A_30 = vector.shape_cast %get3A_25 : vector<128xi32> to vector<1x128xi32>
    %mul3A = vector.broadcast %broadcast_in_dim3A_30 : vector<1x128xi32> to vector<128x128xi32>
    %mul3A_31 = arith.muli %convert_element_type3A, %mul3A : vector<128x128xi32>
    %reduce_sum3A = arith.constant dense<0> : vector<128xi32>
    %reduce_sum3A_32 = vector.multi_reduction <add>, %mul3A_31, %reduce_sum3A [1] : vector<128x128xi32> to vector<128xi32>
    %add3A = arith.addi %broadcast_in_dim3A_9, %reduce_sum3A_32 : vector<128xi32>
    %broadcast_in_dim3A_33 = vector.shape_cast %shift_right_logical3A_27 : vector<128xi32> to vector<1x128xi32>
    %mul3A_34 = vector.broadcast %broadcast_in_dim3A_33 : vector<1x128xi32> to vector<128x128xi32>
    %mul3A_35 = arith.muli %convert_element_type3A, %mul3A_34 : vector<128x128xi32>
    %reduce_sum3A_36 = arith.constant dense<0> : vector<128xi32>
    %reduce_sum3A_37 = vector.multi_reduction <add>, %mul3A_35, %reduce_sum3A_36 [1] : vector<128x128xi32> to vector<128xi32>
    %add3A_38 = arith.addi %broadcast_in_dim3A_11, %reduce_sum3A_37 : vector<128xi32>
    %broadcast_in_dim3A_39 = vector.shape_cast %and3A_29 : vector<128xi32> to vector<1x128xi32>
    %mul3A_40 = vector.broadcast %broadcast_in_dim3A_39 : vector<1x128xi32> to vector<128x128xi32>
    %mul3A_41 = arith.muli %convert_element_type3A, %mul3A_40 : vector<128x128xi32>
    %reduce_sum3A_42 = arith.constant dense<0> : vector<128xi32>
    %reduce_sum3A_43 = vector.multi_reduction <add>, %mul3A_41, %reduce_sum3A_42 [1] : vector<128x128xi32> to vector<128xi32>
    %add3A_44 = arith.addi %broadcast_in_dim3A_13, %reduce_sum3A_43 : vector<128xi32>
    %slice3A_45 = vector.extract_strided_slice %scan3A_4 {offsets = [1, 0], sizes = [1, 128], strides = [1, 1]} : vector<10x128xi32> to vector<1x128xi32>
    %squeeze3A_46 = vector.shape_cast %slice3A_45 : vector<1x128xi32> to vector<128xi32>
    %broadcast_in_dim3A_47 = vector.shape_cast %squeeze3A_46 : vector<128xi32> to vector<1x128xi32>
    %eq3A_48 = vector.broadcast %broadcast_in_dim3A_47 : vector<1x128xi32> to vector<128x128xi32>
    %eq3A_49 = vector.broadcast %broadcast_in_dim3A_7 : vector<128x1xi32> to vector<128x128xi32>
    %eq3A_50 = arith.cmpi eq, %eq3A_48, %eq3A_49 : vector<128x128xi32>
    %convert_element_type3A_51 = arith.extui %eq3A_50 : vector<128x128xi1> to vector<128x128xi32>
    %get3A_52 = arith.constant 0 : index
    %get3A_53 = arith.constant 1 : index
    %get3A_54 = arith.constant 0 : index
    %get3A_55 = vector.load %arg1[%get3A_52, %get3A_53, %get3A_54] : memref<1x10x128xi32, #tpu.memory_space<vmem>>, vector<1x1x128xi32>
    %get3A_56 = vector.shape_cast %get3A_55 : vector<1x1x128xi32> to vector<128xi32>
    %bitcast_convert_type3A_57 = tpu.bitcast %get3A_56 : vector<128xi32> -> vector<128xi32>
    %get3A_58 = arith.constant 0 : index
    %get3A_59 = arith.constant 1 : index
    %get3A_60 = arith.constant 0 : index
    %get3A_61 = vector.load %arg2[%get3A_58, %get3A_59, %get3A_60] : memref<1x10x128xi32, #tpu.memory_space<vmem>>, vector<1x1x128xi32>
    %get3A_62 = vector.shape_cast %get3A_61 : vector<1x1x128xi32> to vector<128xi32>
    %shift_right_logical3A_63 = arith.constant 16 : i32
    %shift_right_logical3A_64 = vector.broadcast %shift_right_logical3A_63 : i32 to vector<128xi32>
    %shift_right_logical3A_65 = arith.shrui %bitcast_convert_type3A_57, %shift_right_logical3A_64 : vector<128xi32>
    %and3A_66 = arith.constant 65535 : i32
    %and3A_67 = vector.broadcast %and3A_66 : i32 to vector<128xi32>
    %and3A_68 = arith.andi %bitcast_convert_type3A_57, %and3A_67 : vector<128xi32>
    %broadcast_in_dim3A_69 = vector.shape_cast %get3A_62 : vector<128xi32> to vector<1x128xi32>
    %mul3A_70 = vector.broadcast %broadcast_in_dim3A_69 : vector<1x128xi32> to vector<128x128xi32>
    %mul3A_71 = arith.muli %convert_element_type3A_51, %mul3A_70 : vector<128x128xi32>
    %reduce_sum3A_72 = arith.constant dense<0> : vector<128xi32>
    %reduce_sum3A_73 = vector.multi_reduction <add>, %mul3A_71, %reduce_sum3A_72 [1] : vector<128x128xi32> to vector<128xi32>
    %add3A_74 = arith.addi %add3A, %reduce_sum3A_73 : vector<128xi32>
    %broadcast_in_dim3A_75 = vector.shape_cast %shift_right_logical3A_65 : vector<128xi32> to vector<1x128xi32>
    %mul3A_76 = vector.broadcast %broadcast_in_dim3A_75 : vector<1x128xi32> to vector<128x128xi32>
    %mul3A_77 = arith.muli %convert_element_type3A_51, %mul3A_76 : vector<128x128xi32>
    %reduce_sum3A_78 = arith.constant dense<0> : vector<128xi32>
    %reduce_sum3A_79 = vector.multi_reduction <add>, %mul3A_77, %reduce_sum3A_78 [1] : vector<128x128xi32> to vector<128xi32>
    %add3A_80 = arith.addi %add3A_38, %reduce_sum3A_79 : vector<128xi32>
    %broadcast_in_dim3A_81 = vector.shape_cast %and3A_68 : vector<128xi32> to vector<1x128xi32>
    %mul3A_82 = vector.broadcast %broadcast_in_dim3A_81 : vector<1x128xi32> to vector<128x128xi32>
    %mul3A_83 = arith.muli %convert_element_type3A_51, %mul3A_82 : vector<128x128xi32>
    %reduce_sum3A_84 = arith.constant dense<0> : vector<128xi32>
    %reduce_sum3A_85 = vector.multi_reduction <add>, %mul3A_83, %reduce_sum3A_84 [1] : vector<128x128xi32> to vector<128xi32>
    %add3A_86 = arith.addi %add3A_44, %reduce_sum3A_85 : vector<128xi32>
    %slice3A_87 = vector.extract_strided_slice %scan3A_4 {offsets = [2, 0], sizes = [1, 128], strides = [1, 1]} : vector<10x128xi32> to vector<1x128xi32>
    %squeeze3A_88 = vector.shape_cast %slice3A_87 : vector<1x128xi32> to vector<128xi32>
    %broadcast_in_dim3A_89 = vector.shape_cast %squeeze3A_88 : vector<128xi32> to vector<1x128xi32>
    %eq3A_90 = vector.broadcast %broadcast_in_dim3A_89 : vector<1x128xi32> to vector<128x128xi32>
    %eq3A_91 = vector.broadcast %broadcast_in_dim3A_7 : vector<128x1xi32> to vector<128x128xi32>
    %eq3A_92 = arith.cmpi eq, %eq3A_90, %eq3A_91 : vector<128x128xi32>
    %convert_element_type3A_93 = arith.extui %eq3A_92 : vector<128x128xi1> to vector<128x128xi32>
    %get3A_94 = arith.constant 0 : index
    %get3A_95 = arith.constant 2 : index
    %get3A_96 = arith.constant 0 : index
    %get3A_97 = vector.load %arg1[%get3A_94, %get3A_95, %get3A_96] : memref<1x10x128xi32, #tpu.memory_space<vmem>>, vector<1x1x128xi32>
    %get3A_98 = vector.shape_cast %get3A_97 : vector<1x1x128xi32> to vector<128xi32>
    %bitcast_convert_type3A_99 = tpu.bitcast %get3A_98 : vector<128xi32> -> vector<128xi32>
    %get3A_100 = arith.constant 0 : index
    %get3A_101 = arith.constant 2 : index
    %get3A_102 = arith.constant 0 : index
    %get3A_103 = vector.load %arg2[%get3A_100, %get3A_101, %get3A_102] : memref<1x10x128xi32, #tpu.memory_space<vmem>>, vector<1x1x128xi32>
    %get3A_104 = vector.shape_cast %get3A_103 : vector<1x1x128xi32> to vector<128xi32>
    %shift_right_logical3A_105 = arith.constant 16 : i32
    %shift_right_logical3A_106 = vector.broadcast %shift_right_logical3A_105 : i32 to vector<128xi32>
    %shift_right_logical3A_107 = arith.shrui %bitcast_convert_type3A_99, %shift_right_logical3A_106 : vector<128xi32>
    %and3A_108 = arith.constant 65535 : i32
    %and3A_109 = vector.broadcast %and3A_108 : i32 to vector<128xi32>
    %and3A_110 = arith.andi %bitcast_convert_type3A_99, %and3A_109 : vector<128xi32>
    %broadcast_in_dim3A_111 = vector.shape_cast %get3A_104 : vector<128xi32> to vector<1x128xi32>
    %mul3A_112 = vector.broadcast %broadcast_in_dim3A_111 : vector<1x128xi32> to vector<128x128xi32>
    %mul3A_113 = arith.muli %convert_element_type3A_93, %mul3A_112 : vector<128x128xi32>
    %reduce_sum3A_114 = arith.constant dense<0> : vector<128xi32>
    %reduce_sum3A_115 = vector.multi_reduction <add>, %mul3A_113, %reduce_sum3A_114 [1] : vector<128x128xi32> to vector<128xi32>
    %add3A_116 = arith.addi %add3A_74, %reduce_sum3A_115 : vector<128xi32>
    %broadcast_in_dim3A_117 = vector.shape_cast %shift_right_logical3A_107 : vector<128xi32> to vector<1x128xi32>
    %mul3A_118 = vector.broadcast %broadcast_in_dim3A_117 : vector<1x128xi32> to vector<128x128xi32>
    %mul3A_119 = arith.muli %convert_element_type3A_93, %mul3A_118 : vector<128x128xi32>
    %reduce_sum3A_120 = arith.constant dense<0> : vector<128xi32>
    %reduce_sum3A_121 = vector.multi_reduction <add>, %mul3A_119, %reduce_sum3A_120 [1] : vector<128x128xi32> to vector<128xi32>
    %add3A_122 = arith.addi %add3A_80, %reduce_sum3A_121 : vector<128xi32>
    %broadcast_in_dim3A_123 = vector.shape_cast %and3A_110 : vector<128xi32> to vector<1x128xi32>
    %mul3A_124 = vector.broadcast %broadcast_in_dim3A_123 : vector<1x128xi32> to vector<128x128xi32>
    %mul3A_125 = arith.muli %convert_element_type3A_93, %mul3A_124 : vector<128x128xi32>
    %reduce_sum3A_126 = arith.constant dense<0> : vector<128xi32>
    %reduce_sum3A_127 = vector.multi_reduction <add>, %mul3A_125, %reduce_sum3A_126 [1] : vector<128x128xi32> to vector<128xi32>
    %add3A_128 = arith.addi %add3A_86, %reduce_sum3A_127 : vector<128xi32>
    %slice3A_129 = vector.extract_strided_slice %scan3A_4 {offsets = [3, 0], sizes = [1, 128], strides = [1, 1]} : vector<10x128xi32> to vector<1x128xi32>
    %squeeze3A_130 = vector.shape_cast %slice3A_129 : vector<1x128xi32> to vector<128xi32>
    %broadcast_in_dim3A_131 = vector.shape_cast %squeeze3A_130 : vector<128xi32> to vector<1x128xi32>
    %eq3A_132 = vector.broadcast %broadcast_in_dim3A_131 : vector<1x128xi32> to vector<128x128xi32>
    %eq3A_133 = vector.broadcast %broadcast_in_dim3A_7 : vector<128x1xi32> to vector<128x128xi32>
    %eq3A_134 = arith.cmpi eq, %eq3A_132, %eq3A_133 : vector<128x128xi32>
    %convert_element_type3A_135 = arith.extui %eq3A_134 : vector<128x128xi1> to vector<128x128xi32>
    %get3A_136 = arith.constant 0 : index
    %get3A_137 = arith.constant 3 : index
    %get3A_138 = arith.constant 0 : index
    %get3A_139 = vector.load %arg1[%get3A_136, %get3A_137, %get3A_138] : memref<1x10x128xi32, #tpu.memory_space<vmem>>, vector<1x1x128xi32>
    %get3A_140 = vector.shape_cast %get3A_139 : vector<1x1x128xi32> to vector<128xi32>
    %bitcast_convert_type3A_141 = tpu.bitcast %get3A_140 : vector<128xi32> -> vector<128xi32>
    %get3A_142 = arith.constant 0 : index
    %get3A_143 = arith.constant 3 : index
    %get3A_144 = arith.constant 0 : index
    %get3A_145 = vector.load %arg2[%get3A_142, %get3A_143, %get3A_144] : memref<1x10x128xi32, #tpu.memory_space<vmem>>, vector<1x1x128xi32>
    %get3A_146 = vector.shape_cast %get3A_145 : vector<1x1x128xi32> to vector<128xi32>
    %shift_right_logical3A_147 = arith.constant 16 : i32
    %shift_right_logical3A_148 = vector.broadcast %shift_right_logical3A_147 : i32 to vector<128xi32>
    %shift_right_logical3A_149 = arith.shrui %bitcast_convert_type3A_141, %shift_right_logical3A_148 : vector<128xi32>
    %and3A_150 = arith.constant 65535 : i32
    %and3A_151 = vector.broadcast %and3A_150 : i32 to vector<128xi32>
    %and3A_152 = arith.andi %bitcast_convert_type3A_141, %and3A_151 : vector<128xi32>
    %broadcast_in_dim3A_153 = vector.shape_cast %get3A_146 : vector<128xi32> to vector<1x128xi32>
    %mul3A_154 = vector.broadcast %broadcast_in_dim3A_153 : vector<1x128xi32> to vector<128x128xi32>
    %mul3A_155 = arith.muli %convert_element_type3A_135, %mul3A_154 : vector<128x128xi32>
    %reduce_sum3A_156 = arith.constant dense<0> : vector<128xi32>
    %reduce_sum3A_157 = vector.multi_reduction <add>, %mul3A_155, %reduce_sum3A_156 [1] : vector<128x128xi32> to vector<128xi32>
    %add3A_158 = arith.addi %add3A_116, %reduce_sum3A_157 : vector<128xi32>
    %broadcast_in_dim3A_159 = vector.shape_cast %shift_right_logical3A_149 : vector<128xi32> to vector<1x128xi32>
    %mul3A_160 = vector.broadcast %broadcast_in_dim3A_159 : vector<1x128xi32> to vector<128x128xi32>
    %mul3A_161 = arith.muli %convert_element_type3A_135, %mul3A_160 : vector<128x128xi32>
    %reduce_sum3A_162 = arith.constant dense<0> : vector<128xi32>
    %reduce_sum3A_163 = vector.multi_reduction <add>, %mul3A_161, %reduce_sum3A_162 [1] : vector<128x128xi32> to vector<128xi32>
    %add3A_164 = arith.addi %add3A_122, %reduce_sum3A_163 : vector<128xi32>
    %broadcast_in_dim3A_165 = vector.shape_cast %and3A_152 : vector<128xi32> to vector<1x128xi32>
    %mul3A_166 = vector.broadcast %broadcast_in_dim3A_165 : vector<1x128xi32> to vector<128x128xi32>
    %mul3A_167 = arith.muli %convert_element_type3A_135, %mul3A_166 : vector<128x128xi32>
    %reduce_sum3A_168 = arith.constant dense<0> : vector<128xi32>
    %reduce_sum3A_169 = vector.multi_reduction <add>, %mul3A_167, %reduce_sum3A_168 [1] : vector<128x128xi32> to vector<128xi32>
    %add3A_170 = arith.addi %add3A_128, %reduce_sum3A_169 : vector<128xi32>
    %slice3A_171 = vector.extract_strided_slice %scan3A_4 {offsets = [4, 0], sizes = [1, 128], strides = [1, 1]} : vector<10x128xi32> to vector<1x128xi32>
    %squeeze3A_172 = vector.shape_cast %slice3A_171 : vector<1x128xi32> to vector<128xi32>
    %broadcast_in_dim3A_173 = vector.shape_cast %squeeze3A_172 : vector<128xi32> to vector<1x128xi32>
    %eq3A_174 = vector.broadcast %broadcast_in_dim3A_173 : vector<1x128xi32> to vector<128x128xi32>
    %eq3A_175 = vector.broadcast %broadcast_in_dim3A_7 : vector<128x1xi32> to vector<128x128xi32>
    %eq3A_176 = arith.cmpi eq, %eq3A_174, %eq3A_175 : vector<128x128xi32>
    %convert_element_type3A_177 = arith.extui %eq3A_176 : vector<128x128xi1> to vector<128x128xi32>
    %get3A_178 = arith.constant 0 : index
    %get3A_179 = arith.constant 4 : index
    %get3A_180 = arith.constant 0 : index
    %get3A_181 = vector.load %arg1[%get3A_178, %get3A_179, %get3A_180] : memref<1x10x128xi32, #tpu.memory_space<vmem>>, vector<1x1x128xi32>
    %get3A_182 = vector.shape_cast %get3A_181 : vector<1x1x128xi32> to vector<128xi32>
    %bitcast_convert_type3A_183 = tpu.bitcast %get3A_182 : vector<128xi32> -> vector<128xi32>
    %get3A_184 = arith.constant 0 : index
    %get3A_185 = arith.constant 4 : index
    %get3A_186 = arith.constant 0 : index
    %get3A_187 = vector.load %arg2[%get3A_184, %get3A_185, %get3A_186] : memref<1x10x128xi32, #tpu.memory_space<vmem>>, vector<1x1x128xi32>
    %get3A_188 = vector.shape_cast %get3A_187 : vector<1x1x128xi32> to vector<128xi32>
    %shift_right_logical3A_189 = arith.constant 16 : i32
    %shift_right_logical3A_190 = vector.broadcast %shift_right_logical3A_189 : i32 to vector<128xi32>
    %shift_right_logical3A_191 = arith.shrui %bitcast_convert_type3A_183, %shift_right_logical3A_190 : vector<128xi32>
    %and3A_192 = arith.constant 65535 : i32
    %and3A_193 = vector.broadcast %and3A_192 : i32 to vector<128xi32>
    %and3A_194 = arith.andi %bitcast_convert_type3A_183, %and3A_193 : vector<128xi32>
    %broadcast_in_dim3A_195 = vector.shape_cast %get3A_188 : vector<128xi32> to vector<1x128xi32>
    %mul3A_196 = vector.broadcast %broadcast_in_dim3A_195 : vector<1x128xi32> to vector<128x128xi32>
    %mul3A_197 = arith.muli %convert_element_type3A_177, %mul3A_196 : vector<128x128xi32>
    %reduce_sum3A_198 = arith.constant dense<0> : vector<128xi32>
    %reduce_sum3A_199 = vector.multi_reduction <add>, %mul3A_197, %reduce_sum3A_198 [1] : vector<128x128xi32> to vector<128xi32>
    %add3A_200 = arith.addi %add3A_158, %reduce_sum3A_199 : vector<128xi32>
    %broadcast_in_dim3A_201 = vector.shape_cast %shift_right_logical3A_191 : vector<128xi32> to vector<1x128xi32>
    %mul3A_202 = vector.broadcast %broadcast_in_dim3A_201 : vector<1x128xi32> to vector<128x128xi32>
    %mul3A_203 = arith.muli %convert_element_type3A_177, %mul3A_202 : vector<128x128xi32>
    %reduce_sum3A_204 = arith.constant dense<0> : vector<128xi32>
    %reduce_sum3A_205 = vector.multi_reduction <add>, %mul3A_203, %reduce_sum3A_204 [1] : vector<128x128xi32> to vector<128xi32>
    %add3A_206 = arith.addi %add3A_164, %reduce_sum3A_205 : vector<128xi32>
    %broadcast_in_dim3A_207 = vector.shape_cast %and3A_194 : vector<128xi32> to vector<1x128xi32>
    %mul3A_208 = vector.broadcast %broadcast_in_dim3A_207 : vector<1x128xi32> to vector<128x128xi32>
    %mul3A_209 = arith.muli %convert_element_type3A_177, %mul3A_208 : vector<128x128xi32>
    %reduce_sum3A_210 = arith.constant dense<0> : vector<128xi32>
    %reduce_sum3A_211 = vector.multi_reduction <add>, %mul3A_209, %reduce_sum3A_210 [1] : vector<128x128xi32> to vector<128xi32>
    %add3A_212 = arith.addi %add3A_170, %reduce_sum3A_211 : vector<128xi32>
    %slice3A_213 = vector.extract_strided_slice %scan3A_4 {offsets = [5, 0], sizes = [1, 128], strides = [1, 1]} : vector<10x128xi32> to vector<1x128xi32>
    %squeeze3A_214 = vector.shape_cast %slice3A_213 : vector<1x128xi32> to vector<128xi32>
    %broadcast_in_dim3A_215 = vector.shape_cast %squeeze3A_214 : vector<128xi32> to vector<1x128xi32>
    %eq3A_216 = vector.broadcast %broadcast_in_dim3A_215 : vector<1x128xi32> to vector<128x128xi32>
    %eq3A_217 = vector.broadcast %broadcast_in_dim3A_7 : vector<128x1xi32> to vector<128x128xi32>
    %eq3A_218 = arith.cmpi eq, %eq3A_216, %eq3A_217 : vector<128x128xi32>
    %convert_element_type3A_219 = arith.extui %eq3A_218 : vector<128x128xi1> to vector<128x128xi32>
    %get3A_220 = arith.constant 0 : index
    %get3A_221 = arith.constant 5 : index
    %get3A_222 = arith.constant 0 : index
    %get3A_223 = vector.load %arg1[%get3A_220, %get3A_221, %get3A_222] : memref<1x10x128xi32, #tpu.memory_space<vmem>>, vector<1x1x128xi32>
    %get3A_224 = vector.shape_cast %get3A_223 : vector<1x1x128xi32> to vector<128xi32>
    %bitcast_convert_type3A_225 = tpu.bitcast %get3A_224 : vector<128xi32> -> vector<128xi32>
    %get3A_226 = arith.constant 0 : index
    %get3A_227 = arith.constant 5 : index
    %get3A_228 = arith.constant 0 : index
    %get3A_229 = vector.load %arg2[%get3A_226, %get3A_227, %get3A_228] : memref<1x10x128xi32, #tpu.memory_space<vmem>>, vector<1x1x128xi32>
    %get3A_230 = vector.shape_cast %get3A_229 : vector<1x1x128xi32> to vector<128xi32>
    %shift_right_logical3A_231 = arith.constant 16 : i32
    %shift_right_logical3A_232 = vector.broadcast %shift_right_logical3A_231 : i32 to vector<128xi32>
    %shift_right_logical3A_233 = arith.shrui %bitcast_convert_type3A_225, %shift_right_logical3A_232 : vector<128xi32>
    %and3A_234 = arith.constant 65535 : i32
    %and3A_235 = vector.broadcast %and3A_234 : i32 to vector<128xi32>
    %and3A_236 = arith.andi %bitcast_convert_type3A_225, %and3A_235 : vector<128xi32>
    %broadcast_in_dim3A_237 = vector.shape_cast %get3A_230 : vector<128xi32> to vector<1x128xi32>
    %mul3A_238 = vector.broadcast %broadcast_in_dim3A_237 : vector<1x128xi32> to vector<128x128xi32>
    %mul3A_239 = arith.muli %convert_element_type3A_219, %mul3A_238 : vector<128x128xi32>
    %reduce_sum3A_240 = arith.constant dense<0> : vector<128xi32>
    %reduce_sum3A_241 = vector.multi_reduction <add>, %mul3A_239, %reduce_sum3A_240 [1] : vector<128x128xi32> to vector<128xi32>
    %add3A_242 = arith.addi %add3A_200, %reduce_sum3A_241 : vector<128xi32>
    %broadcast_in_dim3A_243 = vector.shape_cast %shift_right_logical3A_233 : vector<128xi32> to vector<1x128xi32>
    %mul3A_244 = vector.broadcast %broadcast_in_dim3A_243 : vector<1x128xi32> to vector<128x128xi32>
    %mul3A_245 = arith.muli %convert_element_type3A_219, %mul3A_244 : vector<128x128xi32>
    %reduce_sum3A_246 = arith.constant dense<0> : vector<128xi32>
    %reduce_sum3A_247 = vector.multi_reduction <add>, %mul3A_245, %reduce_sum3A_246 [1] : vector<128x128xi32> to vector<128xi32>
    %add3A_248 = arith.addi %add3A_206, %reduce_sum3A_247 : vector<128xi32>
    %broadcast_in_dim3A_249 = vector.shape_cast %and3A_236 : vector<128xi32> to vector<1x128xi32>
    %mul3A_250 = vector.broadcast %broadcast_in_dim3A_249 : vector<1x128xi32> to vector<128x128xi32>
    %mul3A_251 = arith.muli %convert_element_type3A_219, %mul3A_250 : vector<128x128xi32>
    %reduce_sum3A_252 = arith.constant dense<0> : vector<128xi32>
    %reduce_sum3A_253 = vector.multi_reduction <add>, %mul3A_251, %reduce_sum3A_252 [1] : vector<128x128xi32> to vector<128xi32>
    %add3A_254 = arith.addi %add3A_212, %reduce_sum3A_253 : vector<128xi32>
    %slice3A_255 = vector.extract_strided_slice %scan3A_4 {offsets = [6, 0], sizes = [1, 128], strides = [1, 1]} : vector<10x128xi32> to vector<1x128xi32>
    %squeeze3A_256 = vector.shape_cast %slice3A_255 : vector<1x128xi32> to vector<128xi32>
    %broadcast_in_dim3A_257 = vector.shape_cast %squeeze3A_256 : vector<128xi32> to vector<1x128xi32>
    %eq3A_258 = vector.broadcast %broadcast_in_dim3A_257 : vector<1x128xi32> to vector<128x128xi32>
    %eq3A_259 = vector.broadcast %broadcast_in_dim3A_7 : vector<128x1xi32> to vector<128x128xi32>
    %eq3A_260 = arith.cmpi eq, %eq3A_258, %eq3A_259 : vector<128x128xi32>
    %convert_element_type3A_261 = arith.extui %eq3A_260 : vector<128x128xi1> to vector<128x128xi32>
    %get3A_262 = arith.constant 0 : index
    %get3A_263 = arith.constant 6 : index
    %get3A_264 = arith.constant 0 : index
    %get3A_265 = vector.load %arg1[%get3A_262, %get3A_263, %get3A_264] : memref<1x10x128xi32, #tpu.memory_space<vmem>>, vector<1x1x128xi32>
    %get3A_266 = vector.shape_cast %get3A_265 : vector<1x1x128xi32> to vector<128xi32>
    %bitcast_convert_type3A_267 = tpu.bitcast %get3A_266 : vector<128xi32> -> vector<128xi32>
    %get3A_268 = arith.constant 0 : index
    %get3A_269 = arith.constant 6 : index
    %get3A_270 = arith.constant 0 : index
    %get3A_271 = vector.load %arg2[%get3A_268, %get3A_269, %get3A_270] : memref<1x10x128xi32, #tpu.memory_space<vmem>>, vector<1x1x128xi32>
    %get3A_272 = vector.shape_cast %get3A_271 : vector<1x1x128xi32> to vector<128xi32>
    %shift_right_logical3A_273 = arith.constant 16 : i32
    %shift_right_logical3A_274 = vector.broadcast %shift_right_logical3A_273 : i32 to vector<128xi32>
    %shift_right_logical3A_275 = arith.shrui %bitcast_convert_type3A_267, %shift_right_logical3A_274 : vector<128xi32>
    %and3A_276 = arith.constant 65535 : i32
    %and3A_277 = vector.broadcast %and3A_276 : i32 to vector<128xi32>
    %and3A_278 = arith.andi %bitcast_convert_type3A_267, %and3A_277 : vector<128xi32>
    %broadcast_in_dim3A_279 = vector.shape_cast %get3A_272 : vector<128xi32> to vector<1x128xi32>
    %mul3A_280 = vector.broadcast %broadcast_in_dim3A_279 : vector<1x128xi32> to vector<128x128xi32>
    %mul3A_281 = arith.muli %convert_element_type3A_261, %mul3A_280 : vector<128x128xi32>
    %reduce_sum3A_282 = arith.constant dense<0> : vector<128xi32>
    %reduce_sum3A_283 = vector.multi_reduction <add>, %mul3A_281, %reduce_sum3A_282 [1] : vector<128x128xi32> to vector<128xi32>
    %add3A_284 = arith.addi %add3A_242, %reduce_sum3A_283 : vector<128xi32>
    %broadcast_in_dim3A_285 = vector.shape_cast %shift_right_logical3A_275 : vector<128xi32> to vector<1x128xi32>
    %mul3A_286 = vector.broadcast %broadcast_in_dim3A_285 : vector<1x128xi32> to vector<128x128xi32>
    %mul3A_287 = arith.muli %convert_element_type3A_261, %mul3A_286 : vector<128x128xi32>
    %reduce_sum3A_288 = arith.constant dense<0> : vector<128xi32>
    %reduce_sum3A_289 = vector.multi_reduction <add>, %mul3A_287, %reduce_sum3A_288 [1] : vector<128x128xi32> to vector<128xi32>
    %add3A_290 = arith.addi %add3A_248, %reduce_sum3A_289 : vector<128xi32>
    %broadcast_in_dim3A_291 = vector.shape_cast %and3A_278 : vector<128xi32> to vector<1x128xi32>
    %mul3A_292 = vector.broadcast %broadcast_in_dim3A_291 : vector<1x128xi32> to vector<128x128xi32>
    %mul3A_293 = arith.muli %convert_element_type3A_261, %mul3A_292 : vector<128x128xi32>
    %reduce_sum3A_294 = arith.constant dense<0> : vector<128xi32>
    %reduce_sum3A_295 = vector.multi_reduction <add>, %mul3A_293, %reduce_sum3A_294 [1] : vector<128x128xi32> to vector<128xi32>
    %add3A_296 = arith.addi %add3A_254, %reduce_sum3A_295 : vector<128xi32>
    %slice3A_297 = vector.extract_strided_slice %scan3A_4 {offsets = [7, 0], sizes = [1, 128], strides = [1, 1]} : vector<10x128xi32> to vector<1x128xi32>
    %squeeze3A_298 = vector.shape_cast %slice3A_297 : vector<1x128xi32> to vector<128xi32>
    %broadcast_in_dim3A_299 = vector.shape_cast %squeeze3A_298 : vector<128xi32> to vector<1x128xi32>
    %eq3A_300 = vector.broadcast %broadcast_in_dim3A_299 : vector<1x128xi32> to vector<128x128xi32>
    %eq3A_301 = vector.broadcast %broadcast_in_dim3A_7 : vector<128x1xi32> to vector<128x128xi32>
    %eq3A_302 = arith.cmpi eq, %eq3A_300, %eq3A_301 : vector<128x128xi32>
    %convert_element_type3A_303 = arith.extui %eq3A_302 : vector<128x128xi1> to vector<128x128xi32>
    %get3A_304 = arith.constant 0 : index
    %get3A_305 = arith.constant 7 : index
    %get3A_306 = arith.constant 0 : index
    %get3A_307 = vector.load %arg1[%get3A_304, %get3A_305, %get3A_306] : memref<1x10x128xi32, #tpu.memory_space<vmem>>, vector<1x1x128xi32>
    %get3A_308 = vector.shape_cast %get3A_307 : vector<1x1x128xi32> to vector<128xi32>
    %bitcast_convert_type3A_309 = tpu.bitcast %get3A_308 : vector<128xi32> -> vector<128xi32>
    %get3A_310 = arith.constant 0 : index
    %get3A_311 = arith.constant 7 : index
    %get3A_312 = arith.constant 0 : index
    %get3A_313 = vector.load %arg2[%get3A_310, %get3A_311, %get3A_312] : memref<1x10x128xi32, #tpu.memory_space<vmem>>, vector<1x1x128xi32>
    %get3A_314 = vector.shape_cast %get3A_313 : vector<1x1x128xi32> to vector<128xi32>
    %shift_right_logical3A_315 = arith.constant 16 : i32
    %shift_right_logical3A_316 = vector.broadcast %shift_right_logical3A_315 : i32 to vector<128xi32>
    %shift_right_logical3A_317 = arith.shrui %bitcast_convert_type3A_309, %shift_right_logical3A_316 : vector<128xi32>
    %and3A_318 = arith.constant 65535 : i32
    %and3A_319 = vector.broadcast %and3A_318 : i32 to vector<128xi32>
    %and3A_320 = arith.andi %bitcast_convert_type3A_309, %and3A_319 : vector<128xi32>
    %broadcast_in_dim3A_321 = vector.shape_cast %get3A_314 : vector<128xi32> to vector<1x128xi32>
    %mul3A_322 = vector.broadcast %broadcast_in_dim3A_321 : vector<1x128xi32> to vector<128x128xi32>
    %mul3A_323 = arith.muli %convert_element_type3A_303, %mul3A_322 : vector<128x128xi32>
    %reduce_sum3A_324 = arith.constant dense<0> : vector<128xi32>
    %reduce_sum3A_325 = vector.multi_reduction <add>, %mul3A_323, %reduce_sum3A_324 [1] : vector<128x128xi32> to vector<128xi32>
    %add3A_326 = arith.addi %add3A_284, %reduce_sum3A_325 : vector<128xi32>
    %broadcast_in_dim3A_327 = vector.shape_cast %shift_right_logical3A_317 : vector<128xi32> to vector<1x128xi32>
    %mul3A_328 = vector.broadcast %broadcast_in_dim3A_327 : vector<1x128xi32> to vector<128x128xi32>
    %mul3A_329 = arith.muli %convert_element_type3A_303, %mul3A_328 : vector<128x128xi32>
    %reduce_sum3A_330 = arith.constant dense<0> : vector<128xi32>
    %reduce_sum3A_331 = vector.multi_reduction <add>, %mul3A_329, %reduce_sum3A_330 [1] : vector<128x128xi32> to vector<128xi32>
    %add3A_332 = arith.addi %add3A_290, %reduce_sum3A_331 : vector<128xi32>
    %broadcast_in_dim3A_333 = vector.shape_cast %and3A_320 : vector<128xi32> to vector<1x128xi32>
    %mul3A_334 = vector.broadcast %broadcast_in_dim3A_333 : vector<1x128xi32> to vector<128x128xi32>
    %mul3A_335 = arith.muli %convert_element_type3A_303, %mul3A_334 : vector<128x128xi32>
    %reduce_sum3A_336 = arith.constant dense<0> : vector<128xi32>
    %reduce_sum3A_337 = vector.multi_reduction <add>, %mul3A_335, %reduce_sum3A_336 [1] : vector<128x128xi32> to vector<128xi32>
    %add3A_338 = arith.addi %add3A_296, %reduce_sum3A_337 : vector<128xi32>
    %slice3A_339 = vector.extract_strided_slice %scan3A_4 {offsets = [8, 0], sizes = [1, 128], strides = [1, 1]} : vector<10x128xi32> to vector<1x128xi32>
    %squeeze3A_340 = vector.shape_cast %slice3A_339 : vector<1x128xi32> to vector<128xi32>
    %broadcast_in_dim3A_341 = vector.shape_cast %squeeze3A_340 : vector<128xi32> to vector<1x128xi32>
    %eq3A_342 = vector.broadcast %broadcast_in_dim3A_341 : vector<1x128xi32> to vector<128x128xi32>
    %eq3A_343 = vector.broadcast %broadcast_in_dim3A_7 : vector<128x1xi32> to vector<128x128xi32>
    %eq3A_344 = arith.cmpi eq, %eq3A_342, %eq3A_343 : vector<128x128xi32>
    %convert_element_type3A_345 = arith.extui %eq3A_344 : vector<128x128xi1> to vector<128x128xi32>
    %get3A_346 = arith.constant 0 : index
    %get3A_347 = arith.constant 8 : index
    %get3A_348 = arith.constant 0 : index
    %get3A_349 = vector.load %arg1[%get3A_346, %get3A_347, %get3A_348] : memref<1x10x128xi32, #tpu.memory_space<vmem>>, vector<1x1x128xi32>
    %get3A_350 = vector.shape_cast %get3A_349 : vector<1x1x128xi32> to vector<128xi32>
    %bitcast_convert_type3A_351 = tpu.bitcast %get3A_350 : vector<128xi32> -> vector<128xi32>
    %get3A_352 = arith.constant 0 : index
    %get3A_353 = arith.constant 8 : index
    %get3A_354 = arith.constant 0 : index
    %get3A_355 = vector.load %arg2[%get3A_352, %get3A_353, %get3A_354] : memref<1x10x128xi32, #tpu.memory_space<vmem>>, vector<1x1x128xi32>
    %get3A_356 = vector.shape_cast %get3A_355 : vector<1x1x128xi32> to vector<128xi32>
    %shift_right_logical3A_357 = arith.constant 16 : i32
    %shift_right_logical3A_358 = vector.broadcast %shift_right_logical3A_357 : i32 to vector<128xi32>
    %shift_right_logical3A_359 = arith.shrui %bitcast_convert_type3A_351, %shift_right_logical3A_358 : vector<128xi32>
    %and3A_360 = arith.constant 65535 : i32
    %and3A_361 = vector.broadcast %and3A_360 : i32 to vector<128xi32>
    %and3A_362 = arith.andi %bitcast_convert_type3A_351, %and3A_361 : vector<128xi32>
    %broadcast_in_dim3A_363 = vector.shape_cast %get3A_356 : vector<128xi32> to vector<1x128xi32>
    %mul3A_364 = vector.broadcast %broadcast_in_dim3A_363 : vector<1x128xi32> to vector<128x128xi32>
    %mul3A_365 = arith.muli %convert_element_type3A_345, %mul3A_364 : vector<128x128xi32>
    %reduce_sum3A_366 = arith.constant dense<0> : vector<128xi32>
    %reduce_sum3A_367 = vector.multi_reduction <add>, %mul3A_365, %reduce_sum3A_366 [1] : vector<128x128xi32> to vector<128xi32>
    %add3A_368 = arith.addi %add3A_326, %reduce_sum3A_367 : vector<128xi32>
    %broadcast_in_dim3A_369 = vector.shape_cast %shift_right_logical3A_359 : vector<128xi32> to vector<1x128xi32>
    %mul3A_370 = vector.broadcast %broadcast_in_dim3A_369 : vector<1x128xi32> to vector<128x128xi32>
    %mul3A_371 = arith.muli %convert_element_type3A_345, %mul3A_370 : vector<128x128xi32>
    %reduce_sum3A_372 = arith.constant dense<0> : vector<128xi32>
    %reduce_sum3A_373 = vector.multi_reduction <add>, %mul3A_371, %reduce_sum3A_372 [1] : vector<128x128xi32> to vector<128xi32>
    %add3A_374 = arith.addi %add3A_332, %reduce_sum3A_373 : vector<128xi32>
    %broadcast_in_dim3A_375 = vector.shape_cast %and3A_362 : vector<128xi32> to vector<1x128xi32>
    %mul3A_376 = vector.broadcast %broadcast_in_dim3A_375 : vector<1x128xi32> to vector<128x128xi32>
    %mul3A_377 = arith.muli %convert_element_type3A_345, %mul3A_376 : vector<128x128xi32>
    %reduce_sum3A_378 = arith.constant dense<0> : vector<128xi32>
    %reduce_sum3A_379 = vector.multi_reduction <add>, %mul3A_377, %reduce_sum3A_378 [1] : vector<128x128xi32> to vector<128xi32>
    %add3A_380 = arith.addi %add3A_338, %reduce_sum3A_379 : vector<128xi32>
    %slice3A_381 = vector.extract_strided_slice %scan3A_4 {offsets = [9, 0], sizes = [1, 128], strides = [1, 1]} : vector<10x128xi32> to vector<1x128xi32>
    %squeeze3A_382 = vector.shape_cast %slice3A_381 : vector<1x128xi32> to vector<128xi32>
    %broadcast_in_dim3A_383 = vector.shape_cast %squeeze3A_382 : vector<128xi32> to vector<1x128xi32>
    %eq3A_384 = vector.broadcast %broadcast_in_dim3A_383 : vector<1x128xi32> to vector<128x128xi32>
    %eq3A_385 = vector.broadcast %broadcast_in_dim3A_7 : vector<128x1xi32> to vector<128x128xi32>
    %eq3A_386 = arith.cmpi eq, %eq3A_384, %eq3A_385 : vector<128x128xi32>
    %convert_element_type3A_387 = arith.extui %eq3A_386 : vector<128x128xi1> to vector<128x128xi32>
    %get3A_388 = arith.constant 0 : index
    %get3A_389 = arith.constant 9 : index
    %get3A_390 = arith.constant 0 : index
    %get3A_391 = vector.load %arg1[%get3A_388, %get3A_389, %get3A_390] : memref<1x10x128xi32, #tpu.memory_space<vmem>>, vector<1x1x128xi32>
    %get3A_392 = vector.shape_cast %get3A_391 : vector<1x1x128xi32> to vector<128xi32>
    %bitcast_convert_type3A_393 = tpu.bitcast %get3A_392 : vector<128xi32> -> vector<128xi32>
    %get3A_394 = arith.constant 0 : index
    %get3A_395 = arith.constant 9 : index
    %get3A_396 = arith.constant 0 : index
    %get3A_397 = vector.load %arg2[%get3A_394, %get3A_395, %get3A_396] : memref<1x10x128xi32, #tpu.memory_space<vmem>>, vector<1x1x128xi32>
    %get3A_398 = vector.shape_cast %get3A_397 : vector<1x1x128xi32> to vector<128xi32>
    %shift_right_logical3A_399 = arith.constant 16 : i32
    %shift_right_logical3A_400 = vector.broadcast %shift_right_logical3A_399 : i32 to vector<128xi32>
    %shift_right_logical3A_401 = arith.shrui %bitcast_convert_type3A_393, %shift_right_logical3A_400 : vector<128xi32>
    %and3A_402 = arith.constant 65535 : i32
    %and3A_403 = vector.broadcast %and3A_402 : i32 to vector<128xi32>
    %and3A_404 = arith.andi %bitcast_convert_type3A_393, %and3A_403 : vector<128xi32>
    %broadcast_in_dim3A_405 = vector.shape_cast %get3A_398 : vector<128xi32> to vector<1x128xi32>
    %mul3A_406 = vector.broadcast %broadcast_in_dim3A_405 : vector<1x128xi32> to vector<128x128xi32>
    %mul3A_407 = arith.muli %convert_element_type3A_387, %mul3A_406 : vector<128x128xi32>
    %reduce_sum3A_408 = arith.constant dense<0> : vector<128xi32>
    %reduce_sum3A_409 = vector.multi_reduction <add>, %mul3A_407, %reduce_sum3A_408 [1] : vector<128x128xi32> to vector<128xi32>
    %add3A_410 = arith.addi %add3A_368, %reduce_sum3A_409 : vector<128xi32>
    %broadcast_in_dim3A_411 = vector.shape_cast %shift_right_logical3A_401 : vector<128xi32> to vector<1x128xi32>
    %mul3A_412 = vector.broadcast %broadcast_in_dim3A_411 : vector<1x128xi32> to vector<128x128xi32>
    %mul3A_413 = arith.muli %convert_element_type3A_387, %mul3A_412 : vector<128x128xi32>
    %reduce_sum3A_414 = arith.constant dense<0> : vector<128xi32>
    %reduce_sum3A_415 = vector.multi_reduction <add>, %mul3A_413, %reduce_sum3A_414 [1] : vector<128x128xi32> to vector<128xi32>
    %add3A_416 = arith.addi %add3A_374, %reduce_sum3A_415 : vector<128xi32>
    %broadcast_in_dim3A_417 = vector.shape_cast %and3A_404 : vector<128xi32> to vector<1x128xi32>
    %mul3A_418 = vector.broadcast %broadcast_in_dim3A_417 : vector<1x128xi32> to vector<128x128xi32>
    %mul3A_419 = arith.muli %convert_element_type3A_387, %mul3A_418 : vector<128x128xi32>
    %reduce_sum3A_420 = arith.constant dense<0> : vector<128xi32>
    %reduce_sum3A_421 = vector.multi_reduction <add>, %mul3A_419, %reduce_sum3A_420 [1] : vector<128x128xi32> to vector<128xi32>
    %add3A_422 = arith.addi %add3A_380, %reduce_sum3A_421 : vector<128xi32>
    %shift_left3A = arith.constant 16 : i32
    %shift_left3A_423 = vector.broadcast %shift_left3A : i32 to vector<128xi32>
    %shift_left3A_424 = arith.shli %add3A_416, %shift_left3A_423 : vector<128xi32>
    %or3A = arith.ori %shift_left3A_424, %add3A_422 : vector<128xi32>
    %shift_right_logical3A_425 = arith.constant 31 : i32
    %shift_right_logical3A_426 = vector.broadcast %shift_right_logical3A_425 : i32 to vector<128xi32>
    %shift_right_logical3A_427 = arith.shrui %or3A, %shift_right_logical3A_426 : vector<128xi32>
    %eq3A_428 = arith.constant 1 : i32
    %eq3A_429 = vector.broadcast %eq3A_428 : i32 to vector<128xi32>
    %eq3A_430 = arith.cmpi eq, %shift_right_logical3A_427, %eq3A_429 : vector<128xi32>
    %xor3A = arith.constant -2147483648 : i32
    %xor3A_431 = vector.broadcast %xor3A : i32 to vector<128xi32>
    %xor3A_432 = arith.xori %or3A, %xor3A_431 : vector<128xi32>
    %not3A = arith.constant dense<-1> : vector<128xi32>
    %not3A_433 = arith.xori %or3A, %not3A : vector<128xi32>
    %select_n3A = arith.select %eq3A_430, %xor3A_432, %not3A_433 : vector<128xi1>, vector<128xi32>
    %bitcast_convert_type3A_434 = tpu.bitcast %select_n3A : vector<128xi32> -> vector<128xf32>
    %neg3A = arith.constant 0.000000e+00 : f32
    %neg3A_435 = vector.broadcast %neg3A : f32 to vector<128xf32>
    %neg3A_436 = arith.subf %neg3A_435, %bitcast_convert_type3A_434 : vector<128xf32>
    %exp3A = math.exp %neg3A_436 : vector<128xf32>
    %add3A_437 = arith.constant 1.000000e+00 : f32
    %add3A_438 = vector.broadcast %add3A_437 : f32 to vector<128xf32>
    %add3A_439 = arith.addf %add3A_438, %exp3A : vector<128xf32>
    %div3A = arith.constant 1.000000e+00 : f32
    %div3A_440 = vector.broadcast %div3A : f32 to vector<128xf32>
    %div3A_441 = arith.divf %div3A_440, %add3A_439 : vector<128xf32>
    %swap3A = arith.constant 0 : index
    %swap3A_442 = arith.constant 0 : index
    %swap3A_443 = arith.constant 0 : index
    %swap3A_444 = vector.load %arg3[%swap3A, %swap3A_442, %swap3A_443] : memref<1x1x128xf32, #tpu.memory_space<vmem>>, vector<1x1x128xf32>
    %swap3A_445 = vector.shape_cast %swap3A_444 : vector<1x1x128xf32> to vector<128xf32>
    %swap3A_446 = vector.shape_cast %div3A_441 : vector<128xf32> to vector<1x1x128xf32>
    tpu.vector_store %arg3[%swap3A, %swap3A_442, %swap3A_443], %swap3A_446 {strides = array<i32>} : memref<1x1x128xf32, #tpu.memory_space<vmem>>, vector<1x1x128xf32>,
    %jit3A = arith.constant 365 : i32
    %eq3A_447 = arith.constant 0 : i32
    %eq3A_448 = arith.cmpi eq, %jit3A, %eq3A_447 : i32
    %jit3A_449 = arith.constant 1 : i32
    %select_n3A_450 = arith.select %eq3A_448, %jit3A_449, %jit3A : i32
    %rem3A = vector.broadcast %select_n3A_450 : i32 to vector<128xi32>
    %rem3A_451 = arith.remsi %add3A_410, %rem3A : vector<128xi32>
    %ne3A = arith.constant 0 : i32
    %ne3A_452 = vector.broadcast %ne3A : i32 to vector<128xi32>
    %ne3A_453 = arith.cmpi ne, %rem3A_451, %ne3A_452 : vector<128xi32>
    %lt3A = arith.constant 0 : i32
    %lt3A_454 = vector.broadcast %lt3A : i32 to vector<128xi32>
    %lt3A_455 = arith.cmpi slt, %rem3A_451, %lt3A_454 : vector<128xi32>
    %lt3A_456 = arith.constant 0 : i32
    %lt3A_457 = arith.cmpi slt, %select_n3A_450, %lt3A_456 : i32
    %ne3A_458 = vector.broadcast %lt3A_457 : i1 to vector<128xi1>
    %ne3A_459 = vector.broadcast %ne3A_458 : vector<128xi1> to vector<128xi1>
    %ne3A_460 = arith.xori %lt3A_455, %ne3A_459 : vector<128xi1>
    %and3A_461 = arith.andi %ne3A_460, %ne3A_453 : vector<128xi1>
    %add3A_462 = vector.broadcast %select_n3A_450 : i32 to vector<128xi32>
    %add3A_463 = arith.addi %rem3A_451, %add3A_462 : vector<128xi32>
    %select_n3A_464 = arith.select %and3A_461, %add3A_463, %rem3A_451 : vector<128xi1>, vector<128xi32>
    %swap3A_465 = arith.constant 0 : index
    %swap3A_466 = arith.constant 0 : index
    %swap3A_467 = arith.constant 0 : index
    %swap3A_468 = vector.load %arg4[%swap3A_465, %swap3A_466, %swap3A_467] : memref<1x1x128xi32, #tpu.memory_space<vmem>>, vector<1x1x128xi32>
    %swap3A_469 = vector.shape_cast %swap3A_468 : vector<1x1x128xi32> to vector<128xi32>
    %swap3A_470 = vector.shape_cast %select_n3A_464 : vector<128xi32> to vector<1x1x128xi32>
    tpu.vector_store %arg4[%swap3A_465, %swap3A_466, %swap3A_467], %swap3A_470 {strides = array<i32>} : memref<1x1x128xi32, #tpu.memory_space<vmem>>, vector<1x1x128xi32>,
    %mul3A_471 = arith.constant 1000 : i32
    %mul3A_472 = arith.muli %arg0, %mul3A_471 : i32
    %jit3A_473 = arith.constant 365 : i32
    %div3A_474 = vector.broadcast %jit3A_473 : i32 to vector<128xi32>
    %div3A_475 = arith.divsi %add3A_410, %div3A_474 : vector<128xi32>
    %sign3A = arith.constant 0 : i32
    %sign3A_476 = vector.broadcast %sign3A : i32 to vector<128xi32>
    %sign3A_477 = arith.cmpi sgt, %add3A_410, %sign3A_476 : vector<128xi32>
    %sign3A_478 = arith.extui %sign3A_477 : vector<128xi1> to vector<128xi32>
    %sign3A_479 = arith.constant 0 : i32
    %sign3A_480 = vector.broadcast %sign3A_479 : i32 to vector<128xi32>
    %sign3A_481 = arith.cmpi slt, %add3A_410, %sign3A_480 : vector<128xi32>
    %sign3A_482 = arith.extui %sign3A_481 : vector<128xi1> to vector<128xi32>
    %sign3A_483 = arith.subi %sign3A_478, %sign3A_482 : vector<128xi32>
    %sign3A_484 = arith.constant 0 : i32
    %sign3A_485 = arith.cmpi sgt, %jit3A_473, %sign3A_484 : i32
    %sign3A_486 = arith.extui %sign3A_485 : i1 to i32
    %sign3A_487 = arith.constant 0 : i32
    %sign3A_488 = arith.cmpi slt, %jit3A_473, %sign3A_487 : i32
    %sign3A_489 = arith.extui %sign3A_488 : i1 to i32
    %sign3A_490 = arith.subi %sign3A_486, %sign3A_489 : i32
    %ne3A_491 = vector.broadcast %sign3A_490 : i32 to vector<128xi32>
    %ne3A_492 = arith.cmpi ne, %sign3A_483, %ne3A_491 : vector<128xi32>
    %rem3A_493 = vector.broadcast %jit3A_473 : i32 to vector<128xi32>
    %rem3A_494 = arith.remsi %add3A_410, %rem3A_493 : vector<128xi32>
    %ne3A_495 = arith.constant 0 : i32
    %ne3A_496 = vector.broadcast %ne3A_495 : i32 to vector<128xi32>
    %ne3A_497 = arith.cmpi ne, %rem3A_494, %ne3A_496 : vector<128xi32>
    %and3A_498 = arith.andi %ne3A_492, %ne3A_497 : vector<128xi1>
    %sub3A = arith.constant 1 : i32
    %sub3A_499 = vector.broadcast %sub3A : i32 to vector<128xi32>
    %sub3A_500 = arith.subi %div3A_475, %sub3A_499 : vector<128xi32>
    %select_n3A_501 = arith.select %and3A_498, %sub3A_500, %div3A_475 : vector<128xi1>, vector<128xi32>
    %add3A_502 = vector.broadcast %mul3A_472 : i32 to vector<128xi32>
    %add3A_503 = arith.addi %add3A_502, %select_n3A_501 : vector<128xi32>
    %jit3A_504 = arith.constant 0 : i32
    %jit3A_505 = arith.constant 15999 : i32
    %max3A = vector.broadcast %jit3A_504 : i32 to vector<128xi32>
    %max3A_506 = arith.maxsi %max3A, %add3A_503 : vector<128xi32>
    %min3A = vector.broadcast %jit3A_505 : i32 to vector<128xi32>
    %min3A_507 = arith.minsi %min3A, %max3A_506 : vector<128xi32>
    %swap3A_508 = arith.constant 0 : index
    %swap3A_509 = arith.constant 0 : index
    %swap3A_510 = arith.constant 0 : index
    %swap3A_511 = vector.load %arg5[%swap3A_508, %swap3A_509, %swap3A_510] : memref<1x1x128xi32, #tpu.memory_space<vmem>>, vector<1x1x128xi32>
    %swap3A_512 = vector.shape_cast %swap3A_511 : vector<1x1x128xi32> to vector<128xi32>
    %swap3A_513 = vector.shape_cast %min3A_507 : vector<128xi32> to vector<1x1x128xi32>
    tpu.vector_store %arg5[%swap3A_508, %swap3A_509, %swap3A_510], %swap3A_513 {strides = array<i32>} : memref<1x1x128xi32, #tpu.memory_space<vmem>>, vector<1x1x128xi32>,
    return
  }
  func.func @transform_0(%arg0: i32) -> (i32, i32, i32) {
    %c0_i32 = arith.constant 0 : i32
    %c0_i32_0 = arith.constant 0 : i32
    %c0_i32_1 = arith.constant 0 : i32
    return %arg0, %c0_i32, %c0_i32_0 : i32, i32, i32
  }
  func.func @transform_1(%arg0: i32) -> (i32, i32, i32) {
    %c0_i32 = arith.constant 0 : i32
    %c0_i32_0 = arith.constant 0 : i32
    %c0_i32_1 = arith.constant 0 : i32
    return %arg0, %c0_i32, %c0_i32_0 : i32, i32, i32
  }
  func.func @transform_2(%arg0: i32) -> (i32, i32, i32) {
    %c0_i32 = arith.constant 0 : i32
    %c0_i32_0 = arith.constant 0 : i32
    %c0_i32_1 = arith.constant 0 : i32
    return %arg0, %c0_i32, %c0_i32_0 : i32, i32, i32
  }
  func.func @transform_3(%arg0: i32) -> (i32, i32, i32) {
    %c0_i32 = arith.constant 0 : i32
    %c0_i32_0 = arith.constant 0 : i32
    %c0_i32_1 = arith.constant 0 : i32
    return %arg0, %c0_i32, %c0_i32_0 : i32, i32, i32
  }
  func.func @transform_4(%arg0: i32) -> (i32, i32, i32) {
    %c0_i32 = arith.constant 0 : i32
    %c0_i32_0 = arith.constant 0 : i32
    %c0_i32_1 = arith.constant 0 : i32
    return %arg0, %c0_i32, %c0_i32_0 : i32, i32, i32
  }
}

</mosaic_0001>

<sc_bundles>
// kernel: kernel.5.cloned.1.call-start
scs
__scs_entry_jumppad:
0x0: {  	(pc) =	sbr.rel $0x88, $3  }
0x1: {  	(tag) =	ssettag $0x0;
	lr =	simm.s32 $0x1  }
0x2: {  	[smem:$0x3F9E] =	sst lr;
	_ =	strace $0xD0000000  }
0x3: {  	_ = 	snop  }
0x4: {  	_ = 	snop  }
0x5: {  	_ = 	snop  }
0x6: {  	_ = 	snop  }
0x7: {  	_ = 	snop  }
__scs_overlays_trampoline_lowered:
0x8: {  	[smem:$0x3FAD] =	sst s0  }
0x9: {  	[smem:$0x3FAE] =	sst s1  }
0xa: {  	[smem:$0x3FAF] =	sst s2  }
0xb: {  	[smem:$0x3FB0] =	sst s3  }
0xc: {  	[smem:$0x3FB1] =	sst s4  }
0xd: {  	[smem:$0x3FB2] =	sst s5  }
0xe: {  	[smem:$0x3FB3] =	sst s6  }
0xf: {  	[smem:$0x3FB4] =	sst s7  }
0x10: {  	[smem:$0x3FB5] =	sst s8  }
0x11: {  	[smem:$0x3FB6] =	sst s9;
	s0 =	simm.s32 @!p0 $0x0  }
0x12: {  	s1 =	sld [smem:$0x3F9C];
	s0 =	simm.s32 @p0 $0x1  }
0x13: {  	[smem:$0x3FB7] =	sst s0;
	s0 =	simm.s32 @!p1 $0x0  }
0x14: {  	s2 =	sld [smem:$0x3F9B];
	s0 =	simm.s32 @p1 $0x1  }
0x15: {  	[smem:$0x3FB8] =	sst s0;
	s0 =	simm.s32 @!p2 $0x0  }
0x16: {  	s3 =	sld [smem:$0x3FDB];
	s0 =	simm.s32 @p2 $0x1  }
0x17: {  	s4 =	simm.s32 $0x1BF5;
	[smem:$0x3FBA] =	sst s0  }
0x18: {  	s0 =	sld [smem:$0x3F9D];
	_ =	swait.ge [sflag:s4], $0x0  }
0x19: {  	s7 =	sld [smem:$0x3F9E]  }
0x1a: {  	s8 =	sadd.s32 $0xFFFFE003, lr  }
0x1b: {  	s9 =	sadd.s32 $0xFFFFFEF7, lr;
	s5 =	simm.s32 $0xFFFFFFFF;
	p2 =	slt.u32 s8, $0xFFFFF086  }
0x1c: {  	p1 =	slt.u32 s9, $0xF7A;
	s5 =	simm.s32 @!p2 $0x0  }
0x1d: {  	s5 =	simm.s32 @p1 $0x1;
	p0 =	seq.s32 s7, s2  }
0x1e: {  	s7 =	smul.u32 @!p0 $0xF7A, s2;
	p2 =	seq.s32 @!p0 s5, $0x0  }
0x1f: {  	s9 =	smul.u32 $0xF7A, s1;
	s8 =	simm.s32 @!p0 $0x1BF5;
	p2 =	por !p2, p0  }
0x20: {  	[sflag:s8] =	ssyncset.s32 @!p0 $0xFFFFF086;
	s6 =	sadd.s32 @!p0 s3, s7;
	s7 =	simm.s32 @!p0 $0x108  }
0x21: {  	s3 =	sadd.s32 s3, s9;
	s6 =	sadd.s32 @!p0 $0x88, s6;
	s7 =	simm.s32 @p2 $0x1082  }
0x22: {  	[simem:s7], [sflag:s8] =	dma.local @!p0 [hbm:s6], $0xF7A  }
0x23: {  	s9 =	sor.u32 $0xD0000000, s2;
	s6 =	simm.s32 $0x108;
	_ =	swait.ge @!p0 [sflag:s8], $0x0  }
0x24: {  	s3 =	sadd.s32 $0x88, s3;
	s6 =	simm.s32 @!p1 $0x1082;
	[sflag:s4] =	ssyncset.s32 $0xFFFFF086  }
0x25: {  	[simem:s6], [sflag:s4] =	dma.local [hbm:s3], $0xF7A  }
0x26: {  	[smem:$0x3F9E] =	sst s1;
	(tag) =	ssettag s2;
	_ =	strace s9  }
0x27: {  	s1 =	sld [smem:$0x3FAE]  }
0x28: {  	s2 =	sld [smem:$0x3FAF]  }
0x29: {  	s4 =	sld [smem:$0x3FB1]  }
0x2a: {  	p0 =	seq.s32 s5, $0x0;
	s5 =	sld [smem:$0x3FB2]  }
0x2b: {  	s6 =	sld [smem:$0x3FB3]  }
0x2c: {  	s7 =	sld [smem:$0x3FB4]  }
0x2d: {  	s3 =	simm.s32 $0x108;
	s8 =	sld [smem:$0x3FB5]  }
0x2e: {  	s3 =	simm.s32 @!p0 $0x1082;
	s9 =	sld [smem:$0x3FB6]  }
0x2f: {  	lr =	sadd.s32 s0, s3;
	s0 =	sld [smem:$0x3FAD]  }
0x30: {  	s3 =	sld [smem:$0x3FB0]  }
0x31: {  	[smem:$0x3FB9] =	sst s10  }
0x32: {  	s10 =	sld [smem:$0x3FB7];
	_ =	sdelay $0x3  }
0x33: {  	p0 =	seq.s32 s10, $0x1;
	s10 =	sld [smem:$0x3FB9];
	_ =	sdelay $0x3  }
0x34: {  	[smem:$0x3FB9] =	sst s10  }
0x35: {  	s10 =	sld [smem:$0x3FB8];
	_ =	sdelay $0x3  }
0x36: {  	p1 =	seq.s32 s10, $0x1;
	s10 =	sld [smem:$0x3FB9];
	_ =	sdelay $0x3  }
0x37: {  	[smem:$0x3FB9] =	sst s10  }
0x38: {  	s10 =	sld [smem:$0x3FBA]  }
0x39: {  	_ = 	snop;
	(pc) =	sbr.ind lr, $3  }
0x3a: {  	_ = 	snop  }
0x3b: {  	_ = 	snop  }
0x3c: {  	p2 =	seq.s32 s10, $0x1;
	s10 =	sld [smem:$0x3FB9]  }
0x3d: {  	_ =	shalt  }
0x3e: {  	_ =	shalt  }
0x3f: {  	_ =	shalt  }
0x40: {  	_ =	shalt  }
0x41: {  	_ =	shalt  }
0x42: {  	_ =	shalt  }
0x43: {  	_ =	shalt  }
0x44: {  	_ =	shalt  }
0x45: {  	_ =	shalt  }
0x46: {  	_ =	shalt  }
0x47: {  	_ =	shalt  }
0x48: {  	_ =	shalt  }
0x49: {  	_ =	shalt  }
0x4a: {  	_ =	shalt  }
0x4b: {  	_ =	shalt  }
0x4c: {  	_ =	shalt  }
0x4d: {  	_ =	shalt  }
0x4e: {  	_ =	shalt  }
0x4f: {  	_ =	shalt  }
0x50: {  	_ =	shalt  }
0x51: {  	_ =	shalt  }
0x52: {  	_ =	shalt  }
0x53: {  	_ =	shalt  }
0x54: {  	_ =	shalt  }
0x55: {  	_ =	shalt  }
0x56: {  	_ =	shalt  }
0x57: {  	_ =	shalt  }
0x58: {  	_ =	shalt  }
0x59: {  	_ =	shalt  }
0x5a: {  	_ =	shalt  }
0x5b: {  	_ =	shalt  }
0x5c: {  	_ =	shalt  }
0x5d: {  	_ =	shalt  }
0x5e: {  	_ =	shalt  }
0x5f: {  	_ =	shalt  }
0x60: {  	_ =	shalt  }
0x61: {  	_ =	shalt  }
0x62: {  	_ =	shalt  }
0x63: {  	_ =	shalt  }
0x64: {  	_ =	shalt  }
0x65: {  	_ =	shalt  }
0x66: {  	_ =	shalt  }
0x67: {  	_ =	shalt  }
0x68: {  	_ =	shalt  }
0x69: {  	_ =	shalt  }
0x6a: {  	_ =	shalt  }
0x6b: {  	_ =	shalt  }
0x6c: {  	_ =	shalt  }
0x6d: {  	_ =	shalt  }
0x6e: {  	_ =	shalt  }
0x6f: {  	_ =	shalt  }
0x70: {  	_ =	shalt  }
0x71: {  	_ =	shalt  }
0x72: {  	_ =	shalt  }
0x73: {  	_ =	shalt  }
0x74: {  	_ =	shalt  }
0x75: {  	_ =	shalt  }
0x76: {  	_ =	shalt  }
0x77: {  	_ =	shalt  }
0x78: {  	_ =	shalt  }
0x79: {  	_ =	shalt  }
0x7a: {  	_ =	shalt  }
0x7b: {  	_ =	shalt  }
0x7c: {  	_ =	shalt  }
0x7d: {  	_ =	shalt  }
0x7e: {  	_ =	shalt  }
0x7f: {  	_ =	shalt  }
0x80: {  	_ =	shalt  }
0x81: {  	_ =	shalt  }
0x82: {  	_ =	shalt  }
0x83: {  	_ =	shalt  }
0x84: {  	_ =	shalt  }
0x85: {  	_ =	shalt  }
0x86: {  	_ =	shalt  }
0x87: {  	_ =	shalt  }
.Lfunc_end0:
.L_simem_size_0:
called_computation_lowered:
.L_overlay_start_0:
0x88: {  	s2 =	sld [smem:$0x3FD9]  }
0x89: {  	s3 =	sld [smem:$0x3FFE];
	_ =	sdelay $0x1  }
0x8a: {  	s1 =	srdreg.scid  }
0x8b: {  	s0 =	sand.u32 $0x1, s1  }
0x8c: {  	s14 =	sshll.u32 s0, $0xA;
	s2 =	sadd.s32 s3, s2  }
0x8d: {  	s2 =	sadd.s32 s2, s14  }
0x8e: {  	[smem:$0x3FC5] =	sst s2  }
0x8f: {  	_ = 	snop  }
0x90: {  	s2 =	sld [smem:$0x3FD0];
	_ =	sdelay $0x2  }
0x91: {  	s15 =	simm.s32 $0xA;
	s4 =	simm.s32 $0x10  }
0x92: {  	[smem:s4], [sflag:s15] =	dma.local [hbm:s2], $0x1  }
0x93: {  	_ =	swait.eq [sflag:s15], $0x1  }
0x94: {  	[sflag:s15] =	ssyncset.done $0x0  }
0x95: {  	[sflag:s15] =	ssyncadd.s32 $0xFFFFFFFF  }
0x96: {  	s16 =	sld [smem:$0x12];
	(tm) =	ssettm $0x1  }
0x97: {  	s17 =	sld [smem:$0x3FFB];
	_ =	sdelay $0x3  }
0x98: {  	_ =	strace s17  }
0x99: {  	s3 =	sld [smem:$0x3FFC];
	_ =	sdelay $0x3  }
0x9a: {  	_ =	strace s3  }
0x9b: {  	s3 =	sld [smem:$0x3FFD];
	_ =	sdelay $0x3  }
0x9c: {  	_ =	strace s3  }
0x9d: {  	_ =	strace $0x8FFFFFFF  }
0x9e: {  	s18 =	sld [smem:$0x3FDB];
	_ =	sdelay $0x1  }
0x9f: {  	s19 =	simm.s32 $_scs_section_size  }
0xa0: {  	s5 =	simm.s32 $_size__tile_overlayer_lowered;
	s6 =	simm.s32 $_tile_overlayer_lowered  }
0xa1: {  	s22 =	simm.s32 $0x1BFF;
	s21 =	sshll.u32 s6, $0x1;
	s3 =	sadd.s32 s19, s18  }
0xa2: {  	s7 =	simm.s32 $0x0;
	s20 =	sshll.u32 s5, $0x1;
	s5 =	sadd.s32 s21, s3  }
0xa3: {  	[timem:s7], [sflag:s22] =	dma.local [hbm:s5], s20  }
0xa4: {  	_ =	swait.ge [sflag:s22], s20  }
0xa5: {  	s4 =	ssub.s32 $0x0, s20;
	[sflag:s22] =	ssyncset.done $0x0  }
0xa6: {  	[sflag:s22] =	ssyncadd.s32 s4;
	_ =	sdelay $0x1  }
0xa7: {  	s23 =	simm.s32 $0x1B8B  }
0xa8: {  	_ =	swait.ge [sflag:s23], $0x1  }
0xa9: {  	[sflag:s23] =	ssyncset.done $0x0  }
0xaa: {  	s25 =	simm.s32 $0x1B8E;
	s24 =	sld [smem:$0x3FFE];
	[sflag:s23] =	ssyncadd.s32 $0xFFFFFFFF  }
0xab: {  	s26 =	simm.s32 $execute0_lowered;
	[smem:$0x3FD2] =	sst s25  }
0xac: {  	s5 =	sshll.u32 s26, $0x1;
	_ =	strace $0x80000046;
	[dreg:$0x1] =	wrdreg $0xFFFFFFFF  }
0xad: {  	s28 =	simm.s32 $_size_execute0_lowered;
	s3 =	sadd.s32 s3, s5;
	[dreg:$0x0] =	wrdreg $0x0  }
0xae: {  	s5 =	sshll.u32 s28, $0x1;
	[dreg:$0x2] =	wrdreg s3  }
0xaf: {  	[dreg:$0x3] =	wrdreg s5  }
0xb0: {  	[dreg:$0x4] =	wrdreg $0xC0  }
0xb1: {  	_ =	task [dreg:s7], $0x5FFFF  }
0xb2: {  	[dreg:$0x1] =	wrdreg $0xFFFFFFFF  }
0xb3: {  	[dreg:$0x0] =	wrdreg $0x60  }
0xb4: {  	[dreg:$0x2] =	wrdreg s24  }
0xb5: {  	[dreg:$0x3] =	wrdreg s16  }
0xb6: {  	[dreg:$0x4] =	wrdreg $0x9  }
0xb7: {  	_ =	task.clear_ibuf [dreg:s7], $0x5FFFF;
	_ =	strace $0x90000046  }
0xb8: {  	s29 =	simm.s32 $0x9;
	_ =	strace $0x80000048  }
0xb9: {  	_ =	swait.ge [sflag:s29], $0x1  }
0xba: {  	[sflag:s29] =	ssyncadd.s32 $0xFFFFFFFF  }
0xbb: {  	_ =	strace $0x90000048  }
0xbc: {  	_ =	sfence  }
0xbd: {  	s30 =	sld [smem:$0x0];
	_ =	sdelay $0x2  }
0xbe: {  	s31 =	sshll.u32 s1, $0xD;
	s1 =	sshrl.u32 s1, $0x2  }
0xbf: {  	s3 =	sand.u32 $0x4000, s31;
	s1 =	sadd.s32 s1, s30  }
0xc0: {  	s0 =	sor.u32 s3, s0;
	s1 =	sshll.u32 s1, $0x11  }
0xc1: {  	s0 =	sor.u32 s1, s0  }
0xc2: {  	s0 =	sadd.s32 $0x8F2B, s0  }
0xc3: {  	[sflag:s0] =	ssyncadd.remote.s32 $0x1  }
0xc4: {  	_ =	sfence.sel $0xFFFF  }
0xc5: {  	[dreg:$0x0] =	wrdreg $0xFFFFFFFF;
	(pc) =	sbr.abs _section_cstart, $3  }
0xc6: {  	[dreg:$0x1] =	wrdreg $0xFFFFFFFF  }
0xc7: {  	_ =	task.clear_ibuf [dreg:s7], $0x2FFFF;
	_ =	strace $0x9FFFFFFF  }
0xc8: {  	(tm) =	ssettm $0x7FFFFFFF  }
0xc9: {  	_ =	shalt  }
tec
execute0_lowered:
.L_overlay_start_1:
0x0: {  	(tag) =	ssettag $0x1  }
0x1: {  	s1 =	rddreg [dreg:$0x0];
	s2 =	srdreg.scid  }
0x2: {  	s0 =	stileid.u32;
	s6 =	rddreg [dreg:$0x1]  }
0x3: {  	s10 =	simm.s32 $0x7080;
	s11 =	simm.s32 $0x80;
	s12 =	simm.s32 $0x880  }
0x4: {  	s13 =	simm.s32 $0x1080;
	s14 =	simm.s32 $0x1880;
	s15 =	simm.s32 $0x2080  }
0x5: {  	s16 =	simm.s32 $0x2880;
	s17 =	simm.s32 $0x3080;
	s18 =	simm.s32 $0x1  }
0x6: {  	s19 =	simm.s32 $0x3880;
	s20 =	simm.s32 $0x4080;
	s21 =	simm.s32 $0x4880  }
0x7: {  	s22 =	simm.s32 $0x5080;
	s23 =	simm.s32 $0x5880;
	s24 =	simm.s32 $0x6080  }
0x8: {  	s25 =	simm.s32 $0x6880;
	s26 =	simm.s32 $0x2;
	s28 =	simm.s32 $0x0  }
0x9: {  	v2 =	vlaneseq.u32;
	vm0 =	vmmov $0xffff;
	s5 =	sand.u32 $0x1, s2;
	s3 =	sshll.u32 s0, $0x1;
	s2 =	simm.s32 $0x0  }
0xa: {  	vm1 =	vcmask $0x700;
	v3 =	vimm.f32 $0.0e+00;
	v4 =	vimm.f32 $1.000000000e+00;
	s4 =	sadd.s32 $0x81600, s1;
	s7 =	sor.u32 s5, s3;
	[smem:$0x7FF] =	sst s2  }
0xb: {  	vm2 =	vcmask $0x1710;
	v1 =	vshrl.u32 v2, $0x3;
	v0 =	vand.u32 $0x7, v2;
	s3 =	sadd.s32 $0x4600, s1;
	s5 =	ssub.s32 $0x2, s5;
	s8 =	smul.u32 $0x7, s7  }
0xc: {  	v3 =	vsel vm1, $0x3F800000, v3;
	v4 =	vsel vm1, $0x0, v4;
	vm1 =	vcmask $0x2720;
	_ =	strace $0x80000047;
	s9 =	smul.u32 $0x700, s7;
	s7 =	sshll.u32 s7, $0x4  }
0xd: {  	v2 =	vor.u32 $0x8, v2;
	v3 =	vsel vm2, $0x3F800000, v3;
	v4 =	vsel vm2, $0x0, v4;
	s31 =	sshrl.u32 s5, $0x1;
	s6 =	sadd.s32 s6, s7;
	s8 =	sadd.s32 s8, s1  }
0xe: {  	vm2 =	vcmask $0x3730;
	v3 =	vsel vm1, $0x3F800000, v3;
	v4 =	vsel vm1, $0x0, v4;
	s1 =	sadd.s32 s9, s1;
	s9 =	ssub.s32 s5, s31;
	s5 =	sadd.s32 $0x3600, s8  }
0xf: {  	v1 =	vmul.u32 $0x8, v1;
	v3 =	vsel vm2, $0x3F800000, v3;
	v4 =	vsel vm2, $0x0, v4;
	s7 =	sadd.s32 $0xFE600, s1;
	s8 =	smax.u32 s9, $0x1;
	s9 =	simm.s32 $0x3  }
.LBB2_1:
0x10: {  	[tilespmem:s2], [sflag:$0x3] =	stream.linear.gather [hbm4b:s5+s2], $0x38, $0x38;
	[tilespmem:$0x7100] =	vst v63  }
0x11: {  	_ =	swait.ge [sflag:s9], $0x38  }
0x12: {  	[sflag:s9] =	ssyncset.done $0x0  }
0x13: {  	[sflag:s9] =	ssyncadd.s32 $0xFFFFFFC8  }
0x14: {  	[tilespmem:s10], [sflag:$0x3] =	stream.linear.gather [hbm4b:s6+s2], $0x80, $0x38;
	[tilespmem:$0x7100] =	vst v63  }
0x15: {  	_ =	swait.ge [sflag:s9], $0x80  }
0x16: {  	[sflag:s9] =	ssyncset.done $0x0  }
0x17: {  	[sflag:s9] =	ssyncadd.s32 $0xFFFFFF80  }
0x18: {  	v5 =	vld [tilespmem:$0x0];
	_ =	sdelay $0x4  }
0x19: {  	v6 =	vshll.u32 v5, $0x1  }
0x1a: {  	v5 =	vand.u32 $0x7, v5;
	v6 =	vand.u32 $0xFFFFFFF0, v6  }
0x1b: {  	v5 =	vor.u32 v5, v6  }
0x1c: {  	v6 =	vperm.xlane v5, v0;
	_ =	sdelay $0x1  }
0x1d: {  	v5 =	vperm.xlane v5, v2;
	v6 =	vadd.s32 v1, v6;
	_ =	sdelay $0x1  }
0x1e: {  	v5 =	vadd.s32 v1, v5;
	_ =	sdelay $0x2  }
0x1f: {  	[tilespmem:s11], [sflag:$0x1] =	stream.indirect_vreg.gather [hbm4b:s3+s2], $0x80, v6, vm0, $0xb8;
	[tilespmem:$0x7100] =	vst v63  }
0x20: {  	_ = 	snop  }
0x21: {  	[tilespmem:s12], [sflag:$0x1] =	stream.indirect_vreg.gather [hbm4b:s3+s2], $0x80, v5, vm0, $0xb8;
	[tilespmem:$0x7100] =	vst v63  }
0x22: {  	v5 =	vld [tilespmem:$0x10];
	_ =	sdelay $0x4  }
0x23: {  	v6 =	vshll.u32 v5, $0x1  }
0x24: {  	v5 =	vand.u32 $0x7, v5;
	v6 =	vand.u32 $0xFFFFFFF0, v6  }
0x25: {  	v5 =	vor.u32 v5, v6  }
0x26: {  	v6 =	vperm.xlane v5, v0;
	_ =	sdelay $0x1  }
0x27: {  	v5 =	vperm.xlane v5, v2;
	v6 =	vadd.s32 v1, v6;
	_ =	sdelay $0x1  }
0x28: {  	v5 =	vadd.s32 v1, v5;
	_ =	sdelay $0x2  }
0x29: {  	[tilespmem:s13], [sflag:$0x1] =	stream.indirect_vreg.gather [hbm4b:s3+s2], $0x80, v6, vm0, $0xb8;
	[tilespmem:$0x7100] =	vst v63  }
0x2a: {  	_ = 	snop  }
0x2b: {  	[tilespmem:s14], [sflag:$0x1] =	stream.indirect_vreg.gather [hbm4b:s3+s2], $0x80, v5, vm0, $0xb8;
	[tilespmem:$0x7100] =	vst v63  }
0x2c: {  	v5 =	vld [tilespmem:$0x20];
	_ =	sdelay $0x4  }
0x2d: {  	v6 =	vshll.u32 v5, $0x1  }
0x2e: {  	v5 =	vand.u32 $0x7, v5;
	v6 =	vand.u32 $0xFFFFFFF0, v6  }
0x2f: {  	v5 =	vor.u32 v5, v6  }
0x30: {  	v6 =	vperm.xlane v5, v0;
	_ =	sdelay $0x1  }
0x31: {  	v5 =	vperm.xlane v5, v2;
	v6 =	vadd.s32 v1, v6;
	_ =	sdelay $0x1  }
0x32: {  	v5 =	vadd.s32 v1, v5;
	_ =	sdelay $0x2  }
0x33: {  	[tilespmem:s15], [sflag:$0x1] =	stream.indirect_vreg.gather [hbm4b:s3+s2], $0x80, v6, vm0, $0xb8;
	[tilespmem:$0x7100] =	vst v63  }
0x34: {  	_ = 	snop  }
0x35: {  	[tilespmem:s16], [sflag:$0x1] =	stream.indirect_vreg.gather [hbm4b:s3+s2], $0x80, v5, vm0, $0xb8;
	[tilespmem:$0x7100] =	vst v63  }
0x36: {  	v5 =	vld.msk [tilespmem:$0x30], $0xff;
	_ =	sdelay $0x4  }
0x37: {  	v6 =	vshll.u32 v5, $0x1  }
0x38: {  	v5 =	vand.u32 $0x7, v5;
	v6 =	vand.u32 $0xFFFFFFF0, v6  }
0x39: {  	v5 =	vor.u32 v5, v6  }
0x3a: {  	v5 =	vperm.xlane v5, v0;
	_ =	sdelay $0x1  }
0x3b: {  	v5 =	vadd.s32 v1, v5;
	_ =	sdelay $0x4  }
0x3c: {  	[tilespmem:s17], [sflag:$0x1] =	stream.indirect_vreg.gather [hbm4b:s3+s2], $0x80, v5, vm0, $0xb8;
	[tilespmem:$0x7100] =	vst v63  }
0x3d: {  	_ =	swait.ge [sflag:s18], $0x3800  }
0x3e: {  	[sflag:s18] =	ssyncset.done $0x0  }
0x3f: {  	[sflag:s18] =	ssyncadd.s32 $0xFFFFC800  }
0x40: {  	v5 =	vld [tilespmem:$0x0];
	_ =	sdelay $0x4  }
0x41: {  	v6 =	vshll.u32 v5, $0x1  }
0x42: {  	v5 =	vand.u32 $0x7, v5;
	v6 =	vand.u32 $0xFFFFFFF0, v6  }
0x43: {  	v5 =	vor.u32 v5, v6  }
0x44: {  	v6 =	vperm.xlane v5, v0;
	_ =	sdelay $0x1  }
0x45: {  	v5 =	vperm.xlane v5, v2;
	v6 =	vadd.s32 v1, v6;
	_ =	sdelay $0x1  }
0x46: {  	v5 =	vadd.s32 v1, v5;
	_ =	sdelay $0x2  }
0x47: {  	[tilespmem:s19], [sflag:$0x2] =	stream.indirect_vreg.gather [hbm4b:s4+s2], $0x80, v6, vm0, $0xb8;
	[tilespmem:$0x7100] =	vst v63  }
0x48: {  	_ = 	snop  }
0x49: {  	[tilespmem:s20], [sflag:$0x2] =	stream.indirect_vreg.gather [hbm4b:s4+s2], $0x80, v5, vm0, $0xb8;
	[tilespmem:$0x7100] =	vst v63  }
0x4a: {  	v5 =	vld [tilespmem:$0x10];
	_ =	sdelay $0x4  }
0x4b: {  	v6 =	vshll.u32 v5, $0x1  }
0x4c: {  	v5 =	vand.u32 $0x7, v5;
	v6 =	vand.u32 $0xFFFFFFF0, v6  }
0x4d: {  	v5 =	vor.u32 v5, v6  }
0x4e: {  	v6 =	vperm.xlane v5, v0;
	_ =	sdelay $0x1  }
0x4f: {  	v5 =	vperm.xlane v5, v2;
	v6 =	vadd.s32 v1, v6;
	_ =	sdelay $0x1  }
0x50: {  	v5 =	vadd.s32 v1, v5;
	_ =	sdelay $0x2  }
0x51: {  	[tilespmem:s21], [sflag:$0x2] =	stream.indirect_vreg.gather [hbm4b:s4+s2], $0x80, v6, vm0, $0xb8;
	[tilespmem:$0x7100] =	vst v63  }
0x52: {  	_ = 	snop  }
0x53: {  	[tilespmem:s22], [sflag:$0x2] =	stream.indirect_vreg.gather [hbm4b:s4+s2], $0x80, v5, vm0, $0xb8;
	[tilespmem:$0x7100] =	vst v63  }
0x54: {  	v5 =	vld [tilespmem:$0x20];
	_ =	sdelay $0x4  }
0x55: {  	v6 =	vshll.u32 v5, $0x1  }
0x56: {  	v5 =	vand.u32 $0x7, v5;
	v6 =	vand.u32 $0xFFFFFFF0, v6  }
0x57: {  	v5 =	vor.u32 v5, v6  }
0x58: {  	v6 =	vperm.xlane v5, v0;
	_ =	sdelay $0x1  }
0x59: {  	v5 =	vperm.xlane v5, v2;
	v6 =	vadd.s32 v1, v6;
	_ =	sdelay $0x1  }
0x5a: {  	v5 =	vadd.s32 v1, v5;
	_ =	sdelay $0x2  }
0x5b: {  	[tilespmem:s23], [sflag:$0x2] =	stream.indirect_vreg.gather [hbm4b:s4+s2], $0x80, v6, vm0, $0xb8;
	[tilespmem:$0x7100] =	vst v63  }
0x5c: {  	_ = 	snop  }
0x5d: {  	[tilespmem:s24], [sflag:$0x2] =	stream.indirect_vreg.gather [hbm4b:s4+s2], $0x80, v5, vm0, $0xb8;
	[tilespmem:$0x7100] =	vst v63  }
0x5e: {  	v5 =	vld.msk [tilespmem:$0x30], $0xff;
	_ =	sdelay $0x4  }
0x5f: {  	v6 =	vshll.u32 v5, $0x1  }
0x60: {  	v5 =	vand.u32 $0x7, v5;
	v6 =	vand.u32 $0xFFFFFFF0, v6  }
0x61: {  	v5 =	vor.u32 v5, v6  }
0x62: {  	v5 =	vperm.xlane v5, v0;
	_ =	sdelay $0x1  }
0x63: {  	v5 =	vadd.s32 v1, v5;
	_ =	sdelay $0x4  }
0x64: {  	[tilespmem:s25], [sflag:$0x2] =	stream.indirect_vreg.gather [hbm4b:s4+s2], $0x80, v5, vm0, $0xb8;
	[tilespmem:$0x7100] =	vst v63  }
0x65: {  	_ =	swait.ge [sflag:s26], $0x3800  }
0x66: {  	s1 =	sand.u32 $0x3800, s2;
	s29 =	sand.u32 $0x380, s2;
	[sflag:s26] =	ssyncset.done $0x0  }
0x67: {  	s29 =	sor.u32 s29, s1;
	[sflag:s26] =	ssyncadd.s32 $0xFFFFC800  }
0x68: {  	v5 =	vld [tilespmem:s29+$0x3880]  }
0x69: {  	v14 =	vld [tilespmem:s29+$0x3890]  }
0x6a: {  	v15 =	vld [tilespmem:s29+$0x38A0]  }
0x6b: {  	v19 =	vld [tilespmem:s29+$0x38B0]  }
0x6c: {  	v20 =	vld [tilespmem:s29+$0x38C0]  }
0x6d: {  	v8 =	vld [tilespmem:s29+$0x38D0]  }
0x6e: {  	v6 =	vld [tilespmem:s29+$0x38E0]  }
0x6f: {  	v10 =	vld [tilespmem:s29+$0x80]  }
0x70: {  	v7 =	vld [tilespmem:s29+$0x38F0]  }
0x71: {  	v16 =	vld [tilespmem:s29+$0x90]  }
0x72: {  	v26 =	vld [tilespmem:s29+$0xC0]  }
0x73: {  	v9 =	vld [tilespmem:s29+$0x3C80];
	v11 =	vmul.f32 $5.000000000e-01, v5;
	v17 =	vmul.f32 $5.000000000e-01, v14  }
0x74: {  	v21 =	vld [tilespmem:s29+$0xA0];
	v18 =	vmul.f32 $5.000000000e-01, v15;
	v22 =	vmul.f32 $5.000000000e-01, v19  }
0x75: {  	v24 =	vld [tilespmem:s29+$0xB0];
	v23 =	vmul.f32 $5.000000000e-01, v10;
	v25 =	vmul.f32 $5.000000000e-01, v20  }
0x76: {  	v13 =	vmul.f32 $5.000000000e-01, v8;
	v12 =	vmul.f32 $5.000000000e-01, v6;
	v10 =	vsub.f32 v10, v11  }
0x77: {  	v29 =	vmul.f32 $5.000000000e-01, v26;
	v5 =	vadd.f32 v23, v5;
	v23 =	vmul.f32 $5.000000000e-01, v16  }
0x78: {  	v11 =	vmul.f32 $5.000000000e-01, v7;
	v16 =	vsub.f32 v16, v17;
	v27 =	vmul.f32 v3, v10  }
0x79: {  	v10 =	vmul.f32 $5.000000000e-01, v9;
	v28 =	vmul.f32 v4, v5;
	v5 =	vadd.f32 v23, v14  }
0x7a: {  	v17 =	vsub.f32 v21, v18;
	v14 =	vmul.f32 $5.000000000e-01, v21;
	v21 =	vmul.f32 $5.000000000e-01, v24  }
0x7b: {  	v22 =	vsub.f32 v24, v22;
	v16 =	vmul.f32 v3, v16;
	v18 =	vmul.f32 v4, v5;
	v5 =	vld [tilespmem:$0x7080]  }
0x7c: {  	v17 =	vmul.f32 v3, v17;
	v15 =	vadd.f32 v14, v15;
	v30 =	vadd.f32 v21, v19;
	v14 =	vld [tilespmem:s29+$0xD0]  }
0x7d: {  	v23 =	vsub.f32 v26, v25;
	v24 =	vadd.f32 v29, v20;
	v20 =	vmul.f32 v3, v22  }
0x7e: {  	s30 =	simm.s32 $0x100;
	s31 =	simm.s32 $0x0;
	v21 =	vadd.f32 v27, v28;
	v19 =	vmul.f32 v4, v15;
	v22 =	vmul.f32 v4, v30;
	v15 =	vld [tilespmem:s29+$0xE0]  }
.LBB2_2:
0x7f: {  	p0 =	sne.s32 s30, $0x3700;
	v16 =	vadd.f32 v16, v18;
	v18 =	vmul.f32 v3, v23;
	v23 =	vmul.f32 v4, v24;
	v24 =	vld [tilespmem:s29+$0xF0];
	s31 =	sadd.s32 $0x80, s31  }
0x80: {  	s1 =	sand.u32 $0x3800, s30;
	v17 =	vadd.f32 v17, v19;
	s0 =	sand.u32 $0x380, s31;
	v21 =	vmul.f32 v21, v5;
	v19 =	vadd.f32 v20, v22;
	v20 =	vld [tilespmem:s29+$0x480]  }
0x81: {  	s1 =	sor.u32 s0, s1;
	v16 =	vmul.f32 v16, v5;
	v18 =	vadd.f32 v18, v23;
	v22 =	vmul.f32 $5.000000000e-01, v14  }
0x82: {  	v17 =	vmul.f32 v17, v5;
	v13 =	vsub.f32 v14, v13;
	v23 =	vld [tilespmem:s1+$0x3880];
	v19 =	vmul.f32 v19, v5  }
0x83: {  	v14 =	vld [tilespmem:s1+$0x3890];
	v18 =	vmul.f32 v18, v5;
	v8 =	vadd.f32 v22, v8;
	v22 =	vmul.f32 $5.000000000e-01, v15  }
0x84: {  	v13 =	vmul.f32 v3, v13;
	v12 =	vsub.f32 v15, v12;
	v25 =	vld [tilespmem:s1+$0x38A0];
	v15 =	vmul.f32 $5.000000000e-01, v24  }
0x85: {  	v26 =	vld [tilespmem:s1+$0x38B0];
	v27 =	vmul.f32 v4, v8;
	v6 =	vadd.f32 v22, v6;
	v22 =	vmul.f32 $5.000000000e-01, v20  }
0x86: {  	v11 =	vsub.f32 v24, v11;
	v12 =	vmul.f32 v3, v12;
	v28 =	vld [tilespmem:s1+$0x38C0];
	v7 =	vadd.f32 v15, v7  }
0x87: {  	v10 =	vsub.f32 v20, v10;
	v8 =	vld [tilespmem:s1+$0x38D0];
	[tilespmem:s29+$0x80] =	vst v21;
	v15 =	vmul.f32 v4, v6;
	v9 =	vadd.f32 v22, v9  }
0x88: {  	v11 =	vmul.f32 v3, v11;
	v13 =	vadd.f32 v13, v27;
	v6 =	vld [tilespmem:s1+$0x38E0];
	[tilespmem:s29+$0x90] =	vst v16;
	v16 =	vmul.f32 v4, v7  }
0x89: {  	v10 =	vmul.f32 v3, v10;
	v20 =	vld [tilespmem:s1+$0x80];
	[tilespmem:s29+$0xA0] =	vst v17;
	v12 =	vadd.f32 v12, v15;
	v9 =	vmul.f32 v4, v9  }
0x8a: {  	v15 =	vmul.f32 $5.000000000e-01, v23;
	v13 =	vmul.f32 v13, v5;
	v7 =	vld [tilespmem:s1+$0x38F0];
	[tilespmem:s29+$0xB0] =	vst v19;
	v11 =	vadd.f32 v11, v16  }
0x8b: {  	v17 =	vmul.f32 $5.000000000e-01, v14;
	v16 =	vld [tilespmem:s1+$0x90];
	[tilespmem:s29+$0xC0] =	vst v18;
	v12 =	vmul.f32 v12, v5;
	v10 =	vadd.f32 v10, v9  }
0x8c: {  	v18 =	vmul.f32 $5.000000000e-01, v25;
	v9 =	vld [tilespmem:s1+$0x3C80];
	[tilespmem:s29+$0xD0] =	vst v13;
	v11 =	vmul.f32 v11, v5  }
0x8d: {  	v21 =	vmul.f32 $5.000000000e-01, v26;
	v19 =	vld [tilespmem:s1+$0xA0];
	[tilespmem:s29+$0xE0] =	vst v12;
	v10 =	vmul.f32 v10, v5  }
0x8e: {  	v27 =	vmul.f32 $5.000000000e-01, v28;
	v22 =	vmul.f32 $5.000000000e-01, v20;
	v24 =	vld [tilespmem:s1+$0xB0];
	[tilespmem:s29+$0xF0] =	vst v11  }
0x8f: {  	v13 =	vmul.f32 $5.000000000e-01, v8;
	v12 =	vmul.f32 $5.000000000e-01, v6;
	v15 =	vsub.f32 v20, v15;
	v20 =	vld [tilespmem:s1+$0xC0];
	[tilespmem:s29+$0x480] =	vst v10;
	s29 =	smov.u32 s1  }
0x90: {  	v11 =	vmul.f32 $5.000000000e-01, v7;
	v22 =	vadd.f32 v22, v23;
	v23 =	vmul.f32 $5.000000000e-01, v16  }
0x91: {  	v15 =	vmul.f32 v3, v15;
	v16 =	vsub.f32 v16, v17;
	v10 =	vmul.f32 $5.000000000e-01, v9  }
0x92: {  	v22 =	vmul.f32 v4, v22;
	v14 =	vadd.f32 v23, v14;
	v17 =	vmul.f32 $5.000000000e-01, v19  }
.Ltmp0:
0x93: {  	v16 =	vmul.f32 v3, v16;
	v19 =	vsub.f32 v19, v18;
	v23 =	vmul.f32 $5.000000000e-01, v24;
	(pc) =	sbr.rel @p0 .LBB2_2-.Ltmp0, $4  }
0x94: {  	v18 =	vmul.f32 v4, v14;
	v25 =	vadd.f32 v17, v25;
	v29 =	vmul.f32 $5.000000000e-01, v20  }
0x95: {  	v30 =	vsub.f32 v24, v21;
	v17 =	vmul.f32 v3, v19;
	v26 =	vadd.f32 v23, v26;
	v14 =	vld [tilespmem:s29+$0xD0]  }
0x96: {  	v23 =	vsub.f32 v20, v27;
	v19 =	vmul.f32 v4, v25;
	v24 =	vadd.f32 v29, v28  }
0x97: {  	s30 =	sadd.s32 $0x100, s30;
	v21 =	vadd.f32 v15, v22;
	v20 =	vmul.f32 v3, v30;
	v22 =	vmul.f32 v4, v26;
	v15 =	vld [tilespmem:s29+$0xE0]  }
0x98: {  	v16 =	vadd.f32 v16, v18;
	v54 =	vmul.f32 v3, v23;
	v55 =	vmul.f32 v4, v24;
	v56 =	vld [tilespmem:s29+$0xF0]  }
0x99: {  	v17 =	vadd.f32 v17, v19;
	v58 =	vld [tilespmem:s29+$0x480];
	v21 =	vmul.f32 v21, v5;
	v57 =	vadd.f32 v20, v22  }
0x9a: {  	v16 =	vmul.f32 v16, v5;
	v18 =	vadd.f32 v54, v55;
	v59 =	vmul.f32 $5.000000000e-01, v14  }
0x9b: {  	v17 =	vmul.f32 v17, v5;
	v13 =	vsub.f32 v14, v13;
	v19 =	vmul.f32 v57, v5  }
0x9c: {  	v60 =	vmul.f32 v18, v5;
	v8 =	vadd.f32 v59, v8;
	v61 =	vmul.f32 $5.000000000e-01, v15  }
0x9d: {  	v13 =	vmul.f32 v3, v13;
	v12 =	vsub.f32 v15, v12;
	v62 =	vmul.f32 $5.000000000e-01, v56  }
0x9e: {  	v63 =	vmul.f32 $5.000000000e-01, v58;
	v11 =	vsub.f32 v56, v11;
	v6 =	vadd.f32 v61, v6  }
0x9f: {  	v10 =	vsub.f32 v58, v10;
	v8 =	vmul.f32 v4, v8;
	v7 =	vadd.f32 v62, v7  }
0xa0: {  	[tilespmem:s29+$0x80] =	vst v21;
	v12 =	vmul.f32 v3, v12;
	v9 =	vadd.f32 v63, v9;
	v6 =	vmul.f32 v4, v6  }
0xa1: {  	[tilespmem:s29+$0x90] =	vst v16;
	v11 =	vmul.f32 v3, v11;
	v8 =	vadd.f32 v13, v8;
	v7 =	vmul.f32 v4, v7  }
0xa2: {  	[tilespmem:s29+$0xA0] =	vst v17;
	v10 =	vmul.f32 v3, v10;
	v9 =	vmul.f32 v4, v9;
	v6 =	vadd.f32 v12, v6  }
0xa3: {  	[tilespmem:s29+$0xB0] =	vst v19;
	v8 =	vmul.f32 v8, v5;
	v7 =	vadd.f32 v11, v7  }
0xa4: {  	[tilespmem:s29+$0xC0] =	vst v60;
	v9 =	vadd.f32 v10, v9;
	v6 =	vmul.f32 v6, v5  }
0xa5: {  	[tilespmem:s29+$0xD0] =	vst v8;
	v7 =	vmul.f32 v7, v5  }
0xa6: {  	s28 =	sadd.s32 $0x1, s28;
	v5 =	vmul.f32 v9, v5;
	[tilespmem:s29+$0xE0] =	vst v6  }
0xa7: {  	p0 =	sne.s32 s28, s8;
	[tilespmem:s29+$0xF0] =	vst v7  }
.Ltmp1:
0xa8: {  	[tilespmem:s29+$0x480] =	vst v5;
	(pc) =	sbr.rel @p0 .LBB2_1-.Ltmp1, $4  }
0xa9: {  	[hbm4b:s7+s2] =	stream.linear.scatter [tilespmem:s11], [sflag:$0x3], $0x3800, $0x38;
	[tilespmem:$0x7100] =	vst v63  }
0xaa: {  	_ =	swait.ge [sflag:s9], $0x3800  }
0xab: {  	[sflag:s9] =	ssyncset.done $0x0  }
0xac: {  	[sflag:s9] =	ssyncadd.s32 $0xFFFFC800  }
0xad: {  	_ =	sfence.sel $0x180000  }
0xae: {  	[bflag:$0x0] =	sbarrier.arrive $0xFFFF  }
0xaf: {  	_ =	strace $0x90000047  }
0xb0: {  	s0 =	stileid.u32;
	[bflag:$0x2] =	sbarrier.arrive $0xFFFF  }
0xb1: {  	p0 =	sne.s32 s0, $0x0;
	s0 =	rddreg [dreg:$0x2]  }
0xb2: {  	s0 =	sadd.s32 @!p0 $0x100000, s0  }
0xb3: {  	[sflag:s0] =	ssyncadd.tile.s32 @!p0 $0x1;
	_ =	shalt  }
.Lfunc_end2:
_tile_overlayer_lowered:
.L_overlay_start_2:
0xb4: {  	(tag) =	ssettag $0x2  }
0xb5: {  	s0 =	rddreg [dreg:$0x0];
	s2 =	stileid.u32  }
0xb6: {  	s1 =	rddreg [dreg:$0x1];
	p0 =	sne.s32 s2, $0x0  }
0xb7: {  	s3 =	rddreg [dreg:$0x2];
	[bflag:$0x3] =	sbarrier.arrive $0xFFFF;
	s2 =	simm.s32 @!p0 $0x1C03  }
0xb8: {  	[timem:s3], [sflag:s2] =	dma.local @!p0 [hbm:s0], s1  }
0xb9: {  	s0 =	simm.s32 @!p0 $0x3  }
0xba: {  	_ =	swait.ge @!p0 [sflag:s0], s1  }
0xbb: {  	s1 =	ssub.s32 @!p0 $0x0, s1;
	[sflag:s0] =	ssyncset.done @!p0 $0x0  }
0xbc: {  	[sflag:s0] =	ssyncadd.s32 @!p0 s1  }
0xbd: {  	[bflag:$0x3] =	sbarrier.arrive $0xFFFF  }
0xbe: {  	_ =	shalt  }

</sc_bundles>
